<compile_context>
chip_gen: v7x
topology: tpu7x:2x2x1
jax: 0.10.2.dev20260603
libtpu: 0.0.44.dev20260713+nightly
codegen_flags: <defaults>
</compile_context>

<pallas_src>
import functools
import jax
import jax.numpy as jnp
from jax import lax
from jax.experimental import pallas as pl
from jax.experimental.pallas import tpu as pltpu
from jax.experimental.pallas import tpu_sc as plsc

B = 256
L_TOK = 6143
NCOL = 11
TOTAL = 1391
PAD = 1408
IO = 912
N_INSTR = 129
NM = 512
OFF_BEAT = 512
OFF_POS = 528
NPOS = 128
CHUNK = 512
CBUF = CHUNK * NCOL + 16
NW = 32
EPW = B // NW

_mesh = plsc.VectorSubcoreMesh(core_axis_name="c", subcore_axis_name="s")


@functools.partial(
    pl.kernel,
    out_type=jax.ShapeDtypeStruct((B, TOTAL), jnp.float32),
    mesh=_mesh,
    scratch_types=[
        pltpu.VMEM((B,), jnp.int32),
        pltpu.VMEM((B,), jnp.int32),
        pltpu.VMEM((PAD,), jnp.float32),
        pltpu.VMEM((CBUF,), jnp.int32),
        pltpu.VMEM((32,), jnp.int32),
        pltpu.VMEM((144,), jnp.float32),
    ],
    compiler_params=pltpu.CompilerParams(use_tc_tiling_on_sc=False,
                                         needs_layout_passes=False),
)
def _sc_kernel(idx_hbm, ct_hbm, song_hbm, scores_hbm, out_hbm,
               idx_v, ct_v, sbuf, chunk, rowbuf, allowed):
    wid = lax.axis_index("s") * 2 + lax.axis_index("c")
    pltpu.sync_copy(idx_hbm, idx_v)
    pltpu.sync_copy(ct_hbm, ct_v)
    iota = lax.iota(jnp.int32, 16)
    neg = jnp.full((16,), -1e9, jnp.float32)

    def do_elem(e, _):
        b = e * NW + wid
        bvec = jnp.full((16,), 0, jnp.int32) + b
        idx = plsc.load_gather(idx_v, [bvec])[0]
        ct = plsc.load_gather(ct_v, [bvec])[0]
        pltpu.sync_copy(scores_hbm.at[b], sbuf.at[pl.ds(0, TOTAL)])
        row0 = b * L_TOK * NCOL

        @pl.when(ct == 1)
        def _type1():
            ones = jnp.ones((16,), jnp.float32)
            for r in range(9):
                allowed[pl.ds(r * 16, 16)] = ones
            zf = jnp.zeros((16,), jnp.float32)
            n_tok = idx + 2
            n_chunks = (n_tok + CHUNK - 1) // CHUNK

            def chunk_body(k, occ):
                t0 = jnp.minimum(k * CHUNK, L_TOK - CHUNK)
                s = row0 + t0 * NCOL
                sa = (s // 8) * 8
                sh = s - sa
                pltpu.sync_copy(song_hbm.at[pl.ds(sa, CHUNK * NCOL + 8)],
                                chunk.at[pl.ds(0, CHUNK * NCOL + 8)])

                def vec_body(j, occ):
                    rows = j * 16 + iota
                    base = sh + rows * NCOL
                    v0 = plsc.load_gather(chunk, [base])
                    v6 = plsc.load_gather(chunk, [base + 6])
                    m = (v0 == 1) & ((t0 + rows) <= idx + 1)
                    m = m & (v6 >= 0) & (v6 < N_INSTR)
                    v6s = jnp.minimum(jnp.maximum(v6, 0), 143)
                    plsc.store_scatter(allowed, [v6s], zf, mask=m)
                    return occ | jnp.any(m)

                return lax.fori_loop(0, CHUNK // 16, vec_body, occ)

            occ = lax.fori_loop(0, n_chunks, chunk_body, False)

            @pl.when(occ)
            def _apply():
                for r in range(9):
                    av = allowed[pl.ds(r * 16, 16)]
                    s = sbuf[pl.ds(IO + r * 16, 16)]
                    sbuf[pl.ds(IO + r * 16, 16)] = jnp.where(av > 0.0, s, neg)

        @pl.when(ct == 3)
        def _type3():
            s = row0 + idx * NCOL
            sa = (s // 8) * 8
            sh = s - sa
            pltpu.sync_copy(song_hbm.at[pl.ds(sa, 24)],
                            rowbuf.at[pl.ds(0, 24)])
            gcols = sh + jnp.minimum(1 + iota, 3)
            grow = plsc.load_gather(rowbuf, [gcols])
            min_measure = grow[0]

            def am_body(j, carry):
                bv, bi = carry
                v = sbuf[pl.ds(j * 16, 16)]
                gi = j * 16 + iota
                upd = v > bv
                return jnp.where(upd, v, bv), jnp.where(upd, gi, bi)

            bv, bi = lax.fori_loop(1, NM // 16, am_body,
                                   (sbuf[pl.ds(0, 16)], iota))
            maxv = jnp.max(bv)
            am_measure = jnp.min(jnp.where(bv == maxv, bi, jnp.int32(1 << 30)))
            cond_m = am_measure == min_measure
            min_beat = jnp.where(cond_m, grow[1], jnp.int32(0))
            vb = sbuf[pl.ds(OFF_BEAT, 16)]
            maxb = jnp.max(vb)
            am_beat = jnp.min(jnp.where(vb == maxb, iota, jnp.int32(1 << 30)))
            cond_b = cond_m & (am_beat == min_beat)
            min_position = jnp.where(cond_b, grow[2], jnp.int32(0))

            for j in range(NM // 16):
                sj = sbuf[pl.ds(j * 16, 16)]
                keep = (j * 16 + iota) >= min_measure
                sbuf[pl.ds(j * 16, 16)] = jnp.where(keep, sj, neg)
            sj = sbuf[pl.ds(OFF_BEAT, 16)]
            sbuf[pl.ds(OFF_BEAT, 16)] = jnp.where(iota >= min_beat, sj, neg)
            for j in range(NPOS // 16):
                sj = sbuf[pl.ds(OFF_POS + j * 16, 16)]
                keep = (j * 16 + iota) >= min_position
                sbuf[pl.ds(OFF_POS + j * 16, 16)] = jnp.where(keep, sj, neg)

        pltpu.sync_copy(sbuf.at[pl.ds(0, TOTAL)], out_hbm.at[b])
        return 0

    lax.fori_loop(0, EPW, do_elem, 0)


def kernel(idx, chosen_type, song, scores):
    idx = idx.astype(jnp.int32)
    ct = chosen_type.astype(jnp.int32)
    song_flat = jnp.pad(song.astype(jnp.int32).reshape(-1), (0, 16))
    return _sc_kernel(idx, ct, song_flat, scores.astype(jnp.float32))

# --- scband reference (transcript-rebuilt; emitter-appended) ---
"""Pipeline reference for scband-masking-activation-layer-74182675136606 (READ-ONLY COPY).

The authoritative reference and input builder live on the scoring server;
editing this copy changes nothing except your own understanding.
"""

import jax, jax.numpy as jnp
import numpy as np

SEQ_LEN = 6144
B = 256
ORDER = ["measure", "beat", "position", "duration", "pitch", "instrument", "velocity", "key_sign", "time_sign", "tempo"]
INPUT_RANGES = {"measure": 512, "beat": 16, "position": 128, "duration": 128, "pitch": 128, "instrument": 129, "velocity": 128, "key_sign": 24, "time_sign": 153, "tempo": 45}
_sizes = [INPUT_RANGES[k] for k in ORDER]
_offsets = np.concatenate([[0], np.cumsum(_sizes)]).astype(np.int64)
TOTAL = int(_offsets[-1])  # 1391, matches the module's documented score width
OFF = {k: int(_offsets[i]) for i, k in enumerate(ORDER)}


def setup_inputs(seed: int = 0) -> dict:
    key = jax.random.key(seed)
    k1, k2, k3, k4 = jax.random.split(key, 4)
    idx = jax.random.randint(k1, (B,), 0, SEQ_LEN - 2)
    chosen_type = jax.random.randint(k2, (B,), 0, 8)
    song = jax.random.randint(k3, (B, SEQ_LEN - 1, 11), 0, 16)
    scores = jax.random.normal(k4, (B, TOTAL), dtype=jnp.float32)
    return {"idx": idx, "chosen_type": chosen_type, "song": song, "scores": scores}


def _mask_one(idx, chosen_type, song, scores):
    L = SEQ_LEN - 1
    idx = idx.astype(jnp.int32)
    chosen_type = chosen_type.astype(jnp.int32)
    # tokens up to and including i+1 (mask_tokens_if_type_is_desired_type helper)
    tmp_token_mask = (jnp.arange(L) <= idx + 1).astype(jnp.float32)

    # --- chosen_type == 1: forbid instruments already present (reverse_mask=True) ---
    tok_is_instr = (song[:, 0] == 1).astype(jnp.float32) * tmp_token_mask
    instr_occ = jnp.sum(tok_is_instr)
    n_instr = INPUT_RANGES["instrument"]
    # tensor_scatter_nd_min on a ones-vector: present instruments -> 0 (forbidden)
    scatter_idx = jnp.where(tok_is_instr > 0, song[:, 6].astype(jnp.int32), n_instr)  # n_instr = OOB -> dropped (the tf code uses index -1 into a padded gather path)
    instr_allowed = jnp.ones((n_instr,), dtype=jnp.float32).at[scatter_idx].min(jnp.zeros((L,), dtype=jnp.float32), mode="drop") > 0

    full = jnp.ones((TOTAL,), dtype=bool)  # default_mask: everything allowed
    io = OFF["instrument"]
    mask1 = full.at[io:io + n_instr].set(instr_allowed)
    # if no instrument occurred yet, fall back to the default mask path
    mask1 = jnp.where(instr_occ > 0, mask1, full)

    # --- chosen_type == 3: monotone measure/beat/position constraint ---
    nm = INPUT_RANGES["measure"]
    nb = INPUT_RANGES["beat"]
    npos = INPUT_RANGES["position"]
    min_measure = song[idx, 1].astype(jnp.int32)
    am_measure = jnp.argmax(scores[:nm]).astype(jnp.int32)
    cond_m = am_measure == min_measure
    min_beat = jnp.where(cond_m, song[idx, 2].astype(jnp.int32), jnp.int32(0))
    am_beat = jnp.argmax(scores[nm:nm + nb]).astype(jnp.int32)
    cond_b = jnp.logical_and(cond_m, am_beat == min_beat)
    min_position = jnp.where(cond_b, song[idx, 3].astype(jnp.int32), jnp.int32(0))
    mask3 = full
    mask3 = mask3.at[OFF["measure"]:OFF["measure"] + nm].set(jnp.arange(nm) >= min_measure)
    mask3 = mask3.at[OFF["beat"]:OFF["beat"] + nb].set(jnp.arange(nb) >= min_beat)
    mask3 = mask3.at[OFF["position"]:OFF["position"] + npos].set(jnp.arange(npos) >= min_position)

    # types 0/2/7 (and others not shown in the truncated source) -> default full mask
    allowed = jnp.where(chosen_type == 1, mask1, jnp.where(chosen_type == 3, mask3, full))
    return jnp.where(allowed, scores, jnp.full_like(scores, -1e9))


def reference(idx, chosen_type, song, scores):
    return jax.vmap(_mask_one)(idx, chosen_type, song, scores)


if False:  # reference __main__ guard neutralized (emitter)
    out = reference(**setup_inputs())
    print(out.shape, out.dtype)

if __name__ == "__main__":
    import jax
    _d = setup_inputs()
    print(jax.jit(kernel)(*tuple(_d.values())))

</pallas_src>

<mosaic_0001>
#map = affine_map<(d0, d1) -> (0)>
#map1 = affine_map<(d0, d1) -> (0, 0)>
module attributes {stable_mosaic.version = 14 : i64} {
  func.func @_sc_kernel(%arg0: i32, %arg1: i32, %arg2: memref<256xi32, #tpu.memory_space<hbm>>, %arg3: memref<256xi32, #tpu.memory_space<hbm>>, %arg4: memref<17298704xi32, #tpu.memory_space<hbm>>, %arg5: memref<256x1391xf32, #tpu.memory_space<hbm>>, %arg6: memref<256x1391xf32, #tpu.memory_space<hbm>>, %arg7: memref<256xi32, #tpu.memory_space<vmem>>, %arg8: memref<256xi32, #tpu.memory_space<vmem>>, %arg9: memref<1408xf32, #tpu.memory_space<vmem>>, %arg10: memref<5648xi32, #tpu.memory_space<vmem>>, %arg11: memref<32xi32, #tpu.memory_space<vmem>>, %arg12: memref<144xf32, #tpu.memory_space<vmem>>) attributes {dimension_semantics = [#tpu.dimension_semantics<core_parallel>, #tpu.dimension_semantics<subcore_parallel>], iteration_bounds = array<i64: 2, 16>, scalar_prefetch = 0 : i64, scratch_operands = 6 : i64, tpu.core_type = #tpu.core_type<sc_vector_subcore>, window_params = [{transform_indices = #map}, {transform_indices = #map}, {transform_indices = #map}, {transform_indices = #map1}, {transform_indices = #map1}]} {
    %mul3A = arith.constant 2 : i32
    %mul3A_0 = arith.muli %arg1, %mul3A : i32
    %add3A = arith.addi %mul3A_0, %arg0 : i32
    "tpu.region"() ({
      %run_scoped3A = tpu.sem_alloc : memref<!tpu.dma_semaphore, #tpu.memory_space<semaphore_mem>>
      tpu.enqueue_dma source(%arg2 : memref<256xi32, #tpu.memory_space<hbm>>) target(%arg7 : memref<256xi32, #tpu.memory_space<vmem>>) target_semaphore(%run_scoped3A : memref<!tpu.dma_semaphore, #tpu.memory_space<semaphore_mem>>)
      tpu.wait_dma2 semaphore(%run_scoped3A : memref<!tpu.dma_semaphore, #tpu.memory_space<semaphore_mem>>) src(%arg2 : memref<256xi32, #tpu.memory_space<hbm>>) dst(%arg7 : memref<256xi32, #tpu.memory_space<vmem>>)
      tpu.yield
    }) : () -> ()
    "tpu.region"() ({
      %run_scoped3A = tpu.sem_alloc : memref<!tpu.dma_semaphore, #tpu.memory_space<semaphore_mem>>
      tpu.enqueue_dma source(%arg3 : memref<256xi32, #tpu.memory_space<hbm>>) target(%arg8 : memref<256xi32, #tpu.memory_space<vmem>>) target_semaphore(%run_scoped3A : memref<!tpu.dma_semaphore, #tpu.memory_space<semaphore_mem>>)
      tpu.wait_dma2 semaphore(%run_scoped3A : memref<!tpu.dma_semaphore, #tpu.memory_space<semaphore_mem>>) src(%arg3 : memref<256xi32, #tpu.memory_space<hbm>>) dst(%arg8 : memref<256xi32, #tpu.memory_space<vmem>>)
      tpu.yield
    }) : () -> ()
    %iota3A = tpu.iota {dimensions = array<i32: 0>} : vector<16xi32>
    %broadcast_in_dim3A = arith.constant -1.000000e+09 : f32
    %broadcast_in_dim3A_1 = vector.broadcast %broadcast_in_dim3A : f32 to vector<16xf32>
    %scan3A = arith.constant 0 : i32
    %scan3A_2 = arith.constant 0 : i32
    %scan3A_3 = arith.constant 8 : i32
    %scan3A_4 = arith.addi %scan3A_2, %scan3A_3 : i32
    %scan3A_5 = arith.constant 1 : i32
    %scan3A_6 = scf.for %scan3A_8 = %scan3A_2 to %scan3A_4 step %scan3A_5 iter_args(%scan3A_9 = %scan3A) -> (i32)  : i32 {
      %mul3A_10 = arith.constant 32 : i32
      %mul3A_11 = arith.muli %scan3A_8, %mul3A_10 : i32
      %add3A_12 = arith.addi %mul3A_11, %add3A : i32
      %broadcast_in_dim3A_13 = arith.constant 0 : i32
      %broadcast_in_dim3A_14 = vector.broadcast %broadcast_in_dim3A_13 : i32 to vector<16xi32>
      %add3A_15 = vector.broadcast %add3A_12 : i32 to vector<16xi32>
      %add3A_16 = arith.addi %broadcast_in_dim3A_14, %add3A_15 : vector<16xi32>
      %gather3A = tpu.vector_load_idx %arg7[%add3A_16] : memref<256xi32, #tpu.memory_space<vmem>>[vector<16xi32>], vector<16xi32>,
      %slice3A = vector.extract_strided_slice %gather3A {offsets = [0], sizes = [1], strides = [1]} : vector<16xi32> to vector<1xi32>
      %squeeze3A = vector.extract %slice3A[0] : i32 from vector<1xi32>
      %gather3A_17 = tpu.vector_load_idx %arg8[%add3A_16] : memref<256xi32, #tpu.memory_space<vmem>>[vector<16xi32>], vector<16xi32>,
      %slice3A_18 = vector.extract_strided_slice %gather3A_17 {offsets = [0], sizes = [1], strides = [1]} : vector<16xi32> to vector<1xi32>
      %squeeze3A_19 = vector.extract %slice3A_18[0] : i32 from vector<1xi32>
      "tpu.region"() ({
        %run_scoped3A = tpu.sem_alloc : memref<!tpu.dma_semaphore, #tpu.memory_space<semaphore_mem>>
        %dma_start3A = arith.constant 0 : i32
        %dma_start3A_32 = tpu.memref_slice %arg9[%dma_start3A] : memref<1408xf32, #tpu.memory_space<vmem>> -> memref<1391xf32, #tpu.memory_space<vmem>>
        %dma_start3A_33 = arith.constant 0 : i32
        %dma_start3A_34 = tpu.memref_slice %arg5[%add3A_12, %dma_start3A_33] : memref<256x1391xf32, #tpu.memory_space<hbm>> -> memref<1x1391xf32, #tpu.memory_space<hbm>>
        %dma_start3A_35 = tpu.memref_squeeze %dma_start3A_34 : memref<1x1391xf32, #tpu.memory_space<hbm>> -> memref<1391xf32, #tpu.memory_space<hbm>>
        %dma_start3A_36 = arith.constant 0 : i32
        %dma_start3A_37 = tpu.memref_slice %arg9[%dma_start3A_36] : memref<1408xf32, #tpu.memory_space<vmem>> -> memref<1391xf32, #tpu.memory_space<vmem>>
        %dma_start3A_38 = arith.constant 0 : i32
        %dma_start3A_39 = tpu.memref_slice %arg5[%add3A_12, %dma_start3A_38] : memref<256x1391xf32, #tpu.memory_space<hbm>> -> memref<1x1391xf32, #tpu.memory_space<hbm>>
        %dma_start3A_40 = tpu.memref_squeeze %dma_start3A_39 : memref<1x1391xf32, #tpu.memory_space<hbm>> -> memref<1391xf32, #tpu.memory_space<hbm>>
        tpu.enqueue_dma source(%dma_start3A_40 : memref<1391xf32, #tpu.memory_space<hbm>>) target(%dma_start3A_37 : memref<1391xf32, #tpu.memory_space<vmem>>) target_semaphore(%run_scoped3A : memref<!tpu.dma_semaphore, #tpu.memory_space<semaphore_mem>>)
        %dma_wait3A = arith.constant 0 : i32
        %dma_wait3A_41 = tpu.memref_slice %arg9[%dma_wait3A] : memref<1408xf32, #tpu.memory_space<vmem>> -> memref<1391xf32, #tpu.memory_space<vmem>>
        %dma_wait3A_42 = arith.constant 0 : i32
        %dma_wait3A_43 = tpu.memref_slice %arg5[%add3A_12, %dma_wait3A_42] : memref<256x1391xf32, #tpu.memory_space<hbm>> -> memref<1x1391xf32, #tpu.memory_space<hbm>>
        %dma_wait3A_44 = tpu.memref_squeeze %dma_wait3A_43 : memref<1x1391xf32, #tpu.memory_space<hbm>> -> memref<1391xf32, #tpu.memory_space<hbm>>
        %dma_wait3A_45 = arith.constant 0 : i32
        %dma_wait3A_46 = tpu.memref_slice %arg9[%dma_wait3A_45] : memref<1408xf32, #tpu.memory_space<vmem>> -> memref<1391xf32, #tpu.memory_space<vmem>>
        %dma_wait3A_47 = arith.constant 0 : i32
        %dma_wait3A_48 = tpu.memref_slice %arg5[%add3A_12, %dma_wait3A_47] : memref<256x1391xf32, #tpu.memory_space<hbm>> -> memref<1x1391xf32, #tpu.memory_space<hbm>>
        %dma_wait3A_49 = tpu.memref_squeeze %dma_wait3A_48 : memref<1x1391xf32, #tpu.memory_space<hbm>> -> memref<1391xf32, #tpu.memory_space<hbm>>
        tpu.wait_dma2 semaphore(%run_scoped3A : memref<!tpu.dma_semaphore, #tpu.memory_space<semaphore_mem>>) src(%dma_wait3A_49 : memref<1391xf32, #tpu.memory_space<hbm>>) dst(%dma_wait3A_46 : memref<1391xf32, #tpu.memory_space<vmem>>)
        tpu.yield
      }) : () -> ()
      %mul3A_20 = arith.constant 6143 : i32
      %mul3A_21 = arith.muli %add3A_12, %mul3A_20 : i32
      %mul3A_22 = arith.constant 11 : i32
      %mul3A_23 = arith.muli %mul3A_21, %mul3A_22 : i32
      %eq3A = arith.constant 1 : i32
      %eq3A_24 = arith.cmpi eq, %squeeze3A_19, %eq3A : i32
      %convert_element_type3A = arith.extui %eq3A_24 : i1 to i32
      %cond3A = arith.constant 0 : i32
      %cond3A_25 = arith.cmpi ne, %convert_element_type3A, %cond3A : i32
      scf.if %cond3A_25 {
        %broadcast_in_dim3A_32 = arith.constant 1.000000e+00 : f32
        %broadcast_in_dim3A_33 = vector.broadcast %broadcast_in_dim3A_32 : f32 to vector<16xf32>
        %swap3A = arith.constant 0 : index
        %swap3A_34 = tpu.vector_load %arg12[%swap3A] {strides = array<i32>} : memref<144xf32, #tpu.memory_space<vmem>>, vector<16xf32>,
        tpu.vector_store %arg12[%swap3A], %broadcast_in_dim3A_33 {strides = array<i32>} : memref<144xf32, #tpu.memory_space<vmem>>, vector<16xf32>,
        %swap3A_35 = arith.constant 16 : index
        %swap3A_36 = tpu.vector_load %arg12[%swap3A_35] {strides = array<i32>} : memref<144xf32, #tpu.memory_space<vmem>>, vector<16xf32>,
        tpu.vector_store %arg12[%swap3A_35], %broadcast_in_dim3A_33 {strides = array<i32>} : memref<144xf32, #tpu.memory_space<vmem>>, vector<16xf32>,
        %swap3A_37 = arith.constant 32 : index
        %swap3A_38 = tpu.vector_load %arg12[%swap3A_37] {strides = array<i32>} : memref<144xf32, #tpu.memory_space<vmem>>, vector<16xf32>,
        tpu.vector_store %arg12[%swap3A_37], %broadcast_in_dim3A_33 {strides = array<i32>} : memref<144xf32, #tpu.memory_space<vmem>>, vector<16xf32>,
        %swap3A_39 = arith.constant 48 : index
        %swap3A_40 = tpu.vector_load %arg12[%swap3A_39] {strides = array<i32>} : memref<144xf32, #tpu.memory_space<vmem>>, vector<16xf32>,
        tpu.vector_store %arg12[%swap3A_39], %broadcast_in_dim3A_33 {strides = array<i32>} : memref<144xf32, #tpu.memory_space<vmem>>, vector<16xf32>,
        %swap3A_41 = arith.constant 64 : index
        %swap3A_42 = tpu.vector_load %arg12[%swap3A_41] {strides = array<i32>} : memref<144xf32, #tpu.memory_space<vmem>>, vector<16xf32>,
        tpu.vector_store %arg12[%swap3A_41], %broadcast_in_dim3A_33 {strides = array<i32>} : memref<144xf32, #tpu.memory_space<vmem>>, vector<16xf32>,
        %swap3A_43 = arith.constant 80 : index
        %swap3A_44 = tpu.vector_load %arg12[%swap3A_43] {strides = array<i32>} : memref<144xf32, #tpu.memory_space<vmem>>, vector<16xf32>,
        tpu.vector_store %arg12[%swap3A_43], %broadcast_in_dim3A_33 {strides = array<i32>} : memref<144xf32, #tpu.memory_space<vmem>>, vector<16xf32>,
        %swap3A_45 = arith.constant 96 : index
        %swap3A_46 = tpu.vector_load %arg12[%swap3A_45] {strides = array<i32>} : memref<144xf32, #tpu.memory_space<vmem>>, vector<16xf32>,
        tpu.vector_store %arg12[%swap3A_45], %broadcast_in_dim3A_33 {strides = array<i32>} : memref<144xf32, #tpu.memory_space<vmem>>, vector<16xf32>,
        %swap3A_47 = arith.constant 112 : index
        %swap3A_48 = tpu.vector_load %arg12[%swap3A_47] {strides = array<i32>} : memref<144xf32, #tpu.memory_space<vmem>>, vector<16xf32>,
        tpu.vector_store %arg12[%swap3A_47], %broadcast_in_dim3A_33 {strides = array<i32>} : memref<144xf32, #tpu.memory_space<vmem>>, vector<16xf32>,
        %swap3A_49 = arith.constant 128 : index
        %swap3A_50 = tpu.vector_load %arg12[%swap3A_49] {strides = array<i32>} : memref<144xf32, #tpu.memory_space<vmem>>, vector<16xf32>,
        tpu.vector_store %arg12[%swap3A_49], %broadcast_in_dim3A_33 {strides = array<i32>} : memref<144xf32, #tpu.memory_space<vmem>>, vector<16xf32>,
        %broadcast_in_dim3A_51 = arith.constant 0.000000e+00 : f32
        %broadcast_in_dim3A_52 = vector.broadcast %broadcast_in_dim3A_51 : f32 to vector<16xf32>
        %add3A_53 = arith.constant 2 : i32
        %add3A_54 = arith.addi %squeeze3A, %add3A_53 : i32
        %add3A_55 = arith.constant 512 : i32
        %add3A_56 = arith.addi %add3A_54, %add3A_55 : i32
        %sub3A = arith.constant 1 : i32
        %sub3A_57 = arith.subi %add3A_56, %sub3A : i32
        %jit3A = arith.constant 512 : i32
        %div3A = arith.divsi %sub3A_57, %jit3A : i32
        %sign3A = arith.constant 0 : i32
        %sign3A_58 = arith.cmpi sgt, %sub3A_57, %sign3A : i32
        %sign3A_59 = arith.extui %sign3A_58 : i1 to i32
        %sign3A_60 = arith.constant 0 : i32
        %sign3A_61 = arith.cmpi slt, %sub3A_57, %sign3A_60 : i32
        %sign3A_62 = arith.extui %sign3A_61 : i1 to i32
        %sign3A_63 = arith.subi %sign3A_59, %sign3A_62 : i32
        %sign3A_64 = arith.constant 0 : i32
        %sign3A_65 = arith.cmpi sgt, %jit3A, %sign3A_64 : i32
        %sign3A_66 = arith.extui %sign3A_65 : i1 to i32
        %sign3A_67 = arith.constant 0 : i32
        %sign3A_68 = arith.cmpi slt, %jit3A, %sign3A_67 : i32
        %sign3A_69 = arith.extui %sign3A_68 : i1 to i32
        %sign3A_70 = arith.subi %sign3A_66, %sign3A_69 : i32
        %ne3A = arith.cmpi ne, %sign3A_63, %sign3A_70 : i32
        %rem3A = arith.remsi %sub3A_57, %jit3A : i32
        %ne3A_71 = arith.constant 0 : i32
        %ne3A_72 = arith.cmpi ne, %rem3A, %ne3A_71 : i32
        %and3A = arith.andi %ne3A, %ne3A_72 : i1
        %sub3A_73 = arith.constant 1 : i32
        %sub3A_74 = arith.subi %div3A, %sub3A_73 : i32
        %select_n3A = arith.select %and3A, %sub3A_74, %div3A : i32
        %while3A = arith.constant 0 : i32
        %while3A_75 = arith.constant false
        %while3A_76 = arith.subi %select_n3A, %while3A : i32
        %while3A_77 = arith.addi %while3A, %while3A_76 : i32
        %while3A_78 = arith.constant 1 : i32
        %while3A_79 = arith.divsi %while3A_76, %while3A_78 : i32
        %while3A_80 = arith.muli %while3A_79, %while3A_78 : i32
        %while3A_81 = arith.addi %while3A, %while3A_80 : i32
        %while3A_82 = arith.constant 1 : i32
        %while3A_83 = scf.for %while3A_89 = %while3A to %while3A_81 step %while3A_82 iter_args(%while3A_90 = %while3A_75) -> (i1)  : i32 {
          %mul3A_91 = arith.constant 512 : i32
          %mul3A_92 = arith.muli %while3A_89, %mul3A_91 : i32
          %min3A = arith.constant 5631 : i32
          %min3A_93 = arith.minsi %mul3A_92, %min3A : i32
          %mul3A_94 = arith.constant 11 : i32
          %mul3A_95 = arith.muli %min3A_93, %mul3A_94 : i32
          %add3A_96 = arith.addi %mul3A_23, %mul3A_95 : i32
          %jit3A_97 = arith.constant 8 : i32
          %div3A_98 = arith.divsi %add3A_96, %jit3A_97 : i32
          %sign3A_99 = arith.constant 0 : i32
          %sign3A_100 = arith.cmpi sgt, %add3A_96, %sign3A_99 : i32
          %sign3A_101 = arith.extui %sign3A_100 : i1 to i32
          %sign3A_102 = arith.constant 0 : i32
          %sign3A_103 = arith.cmpi slt, %add3A_96, %sign3A_102 : i32
          %sign3A_104 = arith.extui %sign3A_103 : i1 to i32
          %sign3A_105 = arith.subi %sign3A_101, %sign3A_104 : i32
          %sign3A_106 = arith.constant 0 : i32
          %sign3A_107 = arith.cmpi sgt, %jit3A_97, %sign3A_106 : i32
          %sign3A_108 = arith.extui %sign3A_107 : i1 to i32
          %sign3A_109 = arith.constant 0 : i32
          %sign3A_110 = arith.cmpi slt, %jit3A_97, %sign3A_109 : i32
          %sign3A_111 = arith.extui %sign3A_110 : i1 to i32
          %sign3A_112 = arith.subi %sign3A_108, %sign3A_111 : i32
          %ne3A_113 = arith.cmpi ne, %sign3A_105, %sign3A_112 : i32
          %rem3A_114 = arith.remsi %add3A_96, %jit3A_97 : i32
          %ne3A_115 = arith.constant 0 : i32
          %ne3A_116 = arith.cmpi ne, %rem3A_114, %ne3A_115 : i32
          %and3A_117 = arith.andi %ne3A_113, %ne3A_116 : i1
          %sub3A_118 = arith.constant 1 : i32
          %sub3A_119 = arith.subi %div3A_98, %sub3A_118 : i32
          %select_n3A_120 = arith.select %and3A_117, %sub3A_119, %div3A_98 : i32
          %mul3A_121 = arith.constant 8 : i32
          %mul3A_122 = arith.muli %select_n3A_120, %mul3A_121 : i32
          %sub3A_123 = arith.subi %add3A_96, %mul3A_122 : i32
          "tpu.region"() ({
            %run_scoped3A = tpu.sem_alloc : memref<!tpu.dma_semaphore, #tpu.memory_space<semaphore_mem>>
            %dma_start3A = arith.constant 0 : i32
            %dma_start3A_130 = tpu.memref_slice %arg10[%dma_start3A] : memref<5648xi32, #tpu.memory_space<vmem>> -> memref<5640xi32, #tpu.memory_space<vmem>>
            %dma_start3A_131 = tpu.memref_slice %arg4[%mul3A_122] : memref<17298704xi32, #tpu.memory_space<hbm>> -> memref<5640xi32, #tpu.memory_space<hbm>>
            %dma_start3A_132 = arith.constant 0 : i32
            %dma_start3A_133 = tpu.memref_slice %arg10[%dma_start3A_132] : memref<5648xi32, #tpu.memory_space<vmem>> -> memref<5640xi32, #tpu.memory_space<vmem>>
            %dma_start3A_134 = tpu.memref_slice %arg4[%mul3A_122] : memref<17298704xi32, #tpu.memory_space<hbm>> -> memref<5640xi32, #tpu.memory_space<hbm>>
            tpu.enqueue_dma source(%dma_start3A_134 : memref<5640xi32, #tpu.memory_space<hbm>>) target(%dma_start3A_133 : memref<5640xi32, #tpu.memory_space<vmem>>) target_semaphore(%run_scoped3A : memref<!tpu.dma_semaphore, #tpu.memory_space<semaphore_mem>>)
            %dma_wait3A = arith.constant 0 : i32
            %dma_wait3A_135 = tpu.memref_slice %arg10[%dma_wait3A] : memref<5648xi32, #tpu.memory_space<vmem>> -> memref<5640xi32, #tpu.memory_space<vmem>>
            %dma_wait3A_136 = tpu.memref_slice %arg4[%mul3A_122] : memref<17298704xi32, #tpu.memory_space<hbm>> -> memref<5640xi32, #tpu.memory_space<hbm>>
            %dma_wait3A_137 = arith.constant 0 : i32
            %dma_wait3A_138 = tpu.memref_slice %arg10[%dma_wait3A_137] : memref<5648xi32, #tpu.memory_space<vmem>> -> memref<5640xi32, #tpu.memory_space<vmem>>
            %dma_wait3A_139 = tpu.memref_slice %arg4[%mul3A_122] : memref<17298704xi32, #tpu.memory_space<hbm>> -> memref<5640xi32, #tpu.memory_space<hbm>>
            tpu.wait_dma2 semaphore(%run_scoped3A : memref<!tpu.dma_semaphore, #tpu.memory_space<semaphore_mem>>) src(%dma_wait3A_139 : memref<5640xi32, #tpu.memory_space<hbm>>) dst(%dma_wait3A_138 : memref<5640xi32, #tpu.memory_space<vmem>>)
            tpu.yield
          }) : () -> ()
          %scan3A_124 = arith.constant 0 : i32
          %scan3A_125 = arith.constant 32 : i32
          %scan3A_126 = arith.addi %scan3A_124, %scan3A_125 : i32
          %scan3A_127 = arith.constant 1 : i32
          %scan3A_128 = scf.for %scan3A_130 = %scan3A_124 to %scan3A_126 step %scan3A_127 iter_args(%scan3A_131 = %while3A_90) -> (i1)  : i32 {
            %mul3A_132 = arith.constant 16 : i32
            %mul3A_133 = arith.muli %scan3A_130, %mul3A_132 : i32
            %add3A_134 = vector.broadcast %mul3A_133 : i32 to vector<16xi32>
            %add3A_135 = arith.addi %add3A_134, %iota3A : vector<16xi32>
            %mul3A_136 = arith.constant 11 : i32
            %mul3A_137 = vector.broadcast %mul3A_136 : i32 to vector<16xi32>
            %mul3A_138 = arith.muli %add3A_135, %mul3A_137 : vector<16xi32>
            %add3A_139 = vector.broadcast %sub3A_123 : i32 to vector<16xi32>
            %add3A_140 = arith.addi %add3A_139, %mul3A_138 : vector<16xi32>
            %gather3A_141 = tpu.vector_load_idx %arg10[%add3A_140] : memref<5648xi32, #tpu.memory_space<vmem>>[vector<16xi32>], vector<16xi32>,
            %add3A_142 = arith.constant 6 : i32
            %add3A_143 = vector.broadcast %add3A_142 : i32 to vector<16xi32>
            %add3A_144 = arith.addi %add3A_140, %add3A_143 : vector<16xi32>
            %gather3A_145 = tpu.vector_load_idx %arg10[%add3A_144] : memref<5648xi32, #tpu.memory_space<vmem>>[vector<16xi32>], vector<16xi32>,
            %eq3A_146 = arith.constant 1 : i32
            %eq3A_147 = vector.broadcast %eq3A_146 : i32 to vector<16xi32>
            %eq3A_148 = arith.cmpi eq, %gather3A_141, %eq3A_147 : vector<16xi32>
            %add3A_149 = vector.broadcast %min3A_93 : i32 to vector<16xi32>
            %add3A_150 = arith.addi %add3A_149, %add3A_135 : vector<16xi32>
            %add3A_151 = arith.constant 1 : i32
            %add3A_152 = arith.addi %squeeze3A, %add3A_151 : i32
            %le3A = vector.broadcast %add3A_152 : i32 to vector<16xi32>
            %le3A_153 = arith.cmpi sle, %add3A_150, %le3A : vector<16xi32>
            %and3A_154 = arith.andi %eq3A_148, %le3A_153 : vector<16xi1>
            %ge3A = arith.constant 0 : i32
            %ge3A_155 = vector.broadcast %ge3A : i32 to vector<16xi32>
            %ge3A_156 = arith.cmpi sge, %gather3A_145, %ge3A_155 : vector<16xi32>
            %and3A_157 = arith.andi %and3A_154, %ge3A_156 : vector<16xi1>
            %lt3A = arith.constant 129 : i32
            %lt3A_158 = vector.broadcast %lt3A : i32 to vector<16xi32>
            %lt3A_159 = arith.cmpi slt, %gather3A_145, %lt3A_158 : vector<16xi32>
            %and3A_160 = arith.andi %and3A_157, %lt3A_159 : vector<16xi1>
            %max3A = arith.constant 0 : i32
            %max3A_161 = vector.broadcast %max3A : i32 to vector<16xi32>
            %max3A_162 = arith.maxsi %gather3A_145, %max3A_161 : vector<16xi32>
            %min3A_163 = arith.constant 143 : i32
            %min3A_164 = vector.broadcast %min3A_163 : i32 to vector<16xi32>
            %min3A_165 = arith.minsi %max3A_162, %min3A_164 : vector<16xi32>
            tpu.vector_store_idx %arg12[%min3A_165], %broadcast_in_dim3A_52 masked %and3A_160 : memref<144xf32, #tpu.memory_space<vmem>>[vector<16xi32>], vector<16xf32>, vector<16xi1>
            %reduce_or3A = arith.constant 1.000000e+00 : f32
            %reduce_or3A_166 = arith.constant 0.000000e+00 : f32
            %reduce_or3A_167 = vector.broadcast %reduce_or3A : f32 to vector<16xf32>
            %reduce_or3A_168 = vector.broadcast %reduce_or3A_166 : f32 to vector<16xf32>
            %reduce_or3A_169 = arith.select %and3A_160, %reduce_or3A_167, %reduce_or3A_168 : vector<16xi1>, vector<16xf32>
            %reduce_or3A_170 = arith.constant true
            %reduce_or3A_171 = vector.broadcast %reduce_or3A_170 : i1 to vector<16xi1>
            %reduce_or3A_172 = tpu.scan <max>, %reduce_or3A_169 masked %reduce_or3A_171 : vector<16xf32>, vector<16xi1> -> vector<16xf32>
            %reduce_or3A_173 = vector.extract %reduce_or3A_172[15] : f32 from vector<16xf32>
            %reduce_or3A_174 = arith.constant 0.000000e+00 : f32
            %reduce_or3A_175 = arith.cmpf ogt, %reduce_or3A_173, %reduce_or3A_174 : f32
            %or3A = arith.ori %scan3A_131, %reduce_or3A_175 : i1
            scf.yield %or3A : i1
          }
          %scan3A_129 = arith.constant 32 : i32
          scf.yield %scan3A_128 : i1
        }
        %while3A_84 = arith.constant 1 : i32
        %while3A_85 = scf.for %while3A_89 = %while3A_81 to %while3A_77 step %while3A_84 iter_args(%while3A_90 = %while3A_83) -> (i1)  : i32 {
          %mul3A_91 = arith.constant 512 : i32
          %mul3A_92 = arith.muli %while3A_89, %mul3A_91 : i32
          %min3A = arith.constant 5631 : i32
          %min3A_93 = arith.minsi %mul3A_92, %min3A : i32
          %mul3A_94 = arith.constant 11 : i32
          %mul3A_95 = arith.muli %min3A_93, %mul3A_94 : i32
          %add3A_96 = arith.addi %mul3A_23, %mul3A_95 : i32
          %jit3A_97 = arith.constant 8 : i32
          %div3A_98 = arith.divsi %add3A_96, %jit3A_97 : i32
          %sign3A_99 = arith.constant 0 : i32
          %sign3A_100 = arith.cmpi sgt, %add3A_96, %sign3A_99 : i32
          %sign3A_101 = arith.extui %sign3A_100 : i1 to i32
          %sign3A_102 = arith.constant 0 : i32
          %sign3A_103 = arith.cmpi slt, %add3A_96, %sign3A_102 : i32
          %sign3A_104 = arith.extui %sign3A_103 : i1 to i32
          %sign3A_105 = arith.subi %sign3A_101, %sign3A_104 : i32
          %sign3A_106 = arith.constant 0 : i32
          %sign3A_107 = arith.cmpi sgt, %jit3A_97, %sign3A_106 : i32
          %sign3A_108 = arith.extui %sign3A_107 : i1 to i32
          %sign3A_109 = arith.constant 0 : i32
          %sign3A_110 = arith.cmpi slt, %jit3A_97, %sign3A_109 : i32
          %sign3A_111 = arith.extui %sign3A_110 : i1 to i32
          %sign3A_112 = arith.subi %sign3A_108, %sign3A_111 : i32
          %ne3A_113 = arith.cmpi ne, %sign3A_105, %sign3A_112 : i32
          %rem3A_114 = arith.remsi %add3A_96, %jit3A_97 : i32
          %ne3A_115 = arith.constant 0 : i32
          %ne3A_116 = arith.cmpi ne, %rem3A_114, %ne3A_115 : i32
          %and3A_117 = arith.andi %ne3A_113, %ne3A_116 : i1
          %sub3A_118 = arith.constant 1 : i32
          %sub3A_119 = arith.subi %div3A_98, %sub3A_118 : i32
          %select_n3A_120 = arith.select %and3A_117, %sub3A_119, %div3A_98 : i32
          %mul3A_121 = arith.constant 8 : i32
          %mul3A_122 = arith.muli %select_n3A_120, %mul3A_121 : i32
          %sub3A_123 = arith.subi %add3A_96, %mul3A_122 : i32
          "tpu.region"() ({
            %run_scoped3A = tpu.sem_alloc : memref<!tpu.dma_semaphore, #tpu.memory_space<semaphore_mem>>
            %dma_start3A = arith.constant 0 : i32
            %dma_start3A_130 = tpu.memref_slice %arg10[%dma_start3A] : memref<5648xi32, #tpu.memory_space<vmem>> -> memref<5640xi32, #tpu.memory_space<vmem>>
            %dma_start3A_131 = tpu.memref_slice %arg4[%mul3A_122] : memref<17298704xi32, #tpu.memory_space<hbm>> -> memref<5640xi32, #tpu.memory_space<hbm>>
            %dma_start3A_132 = arith.constant 0 : i32
            %dma_start3A_133 = tpu.memref_slice %arg10[%dma_start3A_132] : memref<5648xi32, #tpu.memory_space<vmem>> -> memref<5640xi32, #tpu.memory_space<vmem>>
            %dma_start3A_134 = tpu.memref_slice %arg4[%mul3A_122] : memref<17298704xi32, #tpu.memory_space<hbm>> -> memref<5640xi32, #tpu.memory_space<hbm>>
            tpu.enqueue_dma source(%dma_start3A_134 : memref<5640xi32, #tpu.memory_space<hbm>>) target(%dma_start3A_133 : memref<5640xi32, #tpu.memory_space<vmem>>) target_semaphore(%run_scoped3A : memref<!tpu.dma_semaphore, #tpu.memory_space<semaphore_mem>>)
            %dma_wait3A = arith.constant 0 : i32
            %dma_wait3A_135 = tpu.memref_slice %arg10[%dma_wait3A] : memref<5648xi32, #tpu.memory_space<vmem>> -> memref<5640xi32, #tpu.memory_space<vmem>>
            %dma_wait3A_136 = tpu.memref_slice %arg4[%mul3A_122] : memref<17298704xi32, #tpu.memory_space<hbm>> -> memref<5640xi32, #tpu.memory_space<hbm>>
            %dma_wait3A_137 = arith.constant 0 : i32
            %dma_wait3A_138 = tpu.memref_slice %arg10[%dma_wait3A_137] : memref<5648xi32, #tpu.memory_space<vmem>> -> memref<5640xi32, #tpu.memory_space<vmem>>
            %dma_wait3A_139 = tpu.memref_slice %arg4[%mul3A_122] : memref<17298704xi32, #tpu.memory_space<hbm>> -> memref<5640xi32, #tpu.memory_space<hbm>>
            tpu.wait_dma2 semaphore(%run_scoped3A : memref<!tpu.dma_semaphore, #tpu.memory_space<semaphore_mem>>) src(%dma_wait3A_139 : memref<5640xi32, #tpu.memory_space<hbm>>) dst(%dma_wait3A_138 : memref<5640xi32, #tpu.memory_space<vmem>>)
            tpu.yield
          }) : () -> ()
          %scan3A_124 = arith.constant 0 : i32
          %scan3A_125 = arith.constant 32 : i32
          %scan3A_126 = arith.addi %scan3A_124, %scan3A_125 : i32
          %scan3A_127 = arith.constant 1 : i32
          %scan3A_128 = scf.for %scan3A_130 = %scan3A_124 to %scan3A_126 step %scan3A_127 iter_args(%scan3A_131 = %while3A_90) -> (i1)  : i32 {
            %mul3A_132 = arith.constant 16 : i32
            %mul3A_133 = arith.muli %scan3A_130, %mul3A_132 : i32
            %add3A_134 = vector.broadcast %mul3A_133 : i32 to vector<16xi32>
            %add3A_135 = arith.addi %add3A_134, %iota3A : vector<16xi32>
            %mul3A_136 = arith.constant 11 : i32
            %mul3A_137 = vector.broadcast %mul3A_136 : i32 to vector<16xi32>
            %mul3A_138 = arith.muli %add3A_135, %mul3A_137 : vector<16xi32>
            %add3A_139 = vector.broadcast %sub3A_123 : i32 to vector<16xi32>
            %add3A_140 = arith.addi %add3A_139, %mul3A_138 : vector<16xi32>
            %gather3A_141 = tpu.vector_load_idx %arg10[%add3A_140] : memref<5648xi32, #tpu.memory_space<vmem>>[vector<16xi32>], vector<16xi32>,
            %add3A_142 = arith.constant 6 : i32
            %add3A_143 = vector.broadcast %add3A_142 : i32 to vector<16xi32>
            %add3A_144 = arith.addi %add3A_140, %add3A_143 : vector<16xi32>
            %gather3A_145 = tpu.vector_load_idx %arg10[%add3A_144] : memref<5648xi32, #tpu.memory_space<vmem>>[vector<16xi32>], vector<16xi32>,
            %eq3A_146 = arith.constant 1 : i32
            %eq3A_147 = vector.broadcast %eq3A_146 : i32 to vector<16xi32>
            %eq3A_148 = arith.cmpi eq, %gather3A_141, %eq3A_147 : vector<16xi32>
            %add3A_149 = vector.broadcast %min3A_93 : i32 to vector<16xi32>
            %add3A_150 = arith.addi %add3A_149, %add3A_135 : vector<16xi32>
            %add3A_151 = arith.constant 1 : i32
            %add3A_152 = arith.addi %squeeze3A, %add3A_151 : i32
            %le3A = vector.broadcast %add3A_152 : i32 to vector<16xi32>
            %le3A_153 = arith.cmpi sle, %add3A_150, %le3A : vector<16xi32>
            %and3A_154 = arith.andi %eq3A_148, %le3A_153 : vector<16xi1>
            %ge3A = arith.constant 0 : i32
            %ge3A_155 = vector.broadcast %ge3A : i32 to vector<16xi32>
            %ge3A_156 = arith.cmpi sge, %gather3A_145, %ge3A_155 : vector<16xi32>
            %and3A_157 = arith.andi %and3A_154, %ge3A_156 : vector<16xi1>
            %lt3A = arith.constant 129 : i32
            %lt3A_158 = vector.broadcast %lt3A : i32 to vector<16xi32>
            %lt3A_159 = arith.cmpi slt, %gather3A_145, %lt3A_158 : vector<16xi32>
            %and3A_160 = arith.andi %and3A_157, %lt3A_159 : vector<16xi1>
            %max3A = arith.constant 0 : i32
            %max3A_161 = vector.broadcast %max3A : i32 to vector<16xi32>
            %max3A_162 = arith.maxsi %gather3A_145, %max3A_161 : vector<16xi32>
            %min3A_163 = arith.constant 143 : i32
            %min3A_164 = vector.broadcast %min3A_163 : i32 to vector<16xi32>
            %min3A_165 = arith.minsi %max3A_162, %min3A_164 : vector<16xi32>
            tpu.vector_store_idx %arg12[%min3A_165], %broadcast_in_dim3A_52 masked %and3A_160 : memref<144xf32, #tpu.memory_space<vmem>>[vector<16xi32>], vector<16xf32>, vector<16xi1>
            %reduce_or3A = arith.constant 1.000000e+00 : f32
            %reduce_or3A_166 = arith.constant 0.000000e+00 : f32
            %reduce_or3A_167 = vector.broadcast %reduce_or3A : f32 to vector<16xf32>
            %reduce_or3A_168 = vector.broadcast %reduce_or3A_166 : f32 to vector<16xf32>
            %reduce_or3A_169 = arith.select %and3A_160, %reduce_or3A_167, %reduce_or3A_168 : vector<16xi1>, vector<16xf32>
            %reduce_or3A_170 = arith.constant true
            %reduce_or3A_171 = vector.broadcast %reduce_or3A_170 : i1 to vector<16xi1>
            %reduce_or3A_172 = tpu.scan <max>, %reduce_or3A_169 masked %reduce_or3A_171 : vector<16xf32>, vector<16xi1> -> vector<16xf32>
            %reduce_or3A_173 = vector.extract %reduce_or3A_172[15] : f32 from vector<16xf32>
            %reduce_or3A_174 = arith.constant 0.000000e+00 : f32
            %reduce_or3A_175 = arith.cmpf ogt, %reduce_or3A_173, %reduce_or3A_174 : f32
            %or3A = arith.ori %scan3A_131, %reduce_or3A_175 : i1
            scf.yield %or3A : i1
          }
          %scan3A_129 = arith.constant 32 : i32
          scf.yield %scan3A_128 : i1
        }
        %convert_element_type3A_86 = arith.extui %while3A_85 : i1 to i32
        %cond3A_87 = arith.constant 0 : i32
        %cond3A_88 = arith.cmpi ne, %convert_element_type3A_86, %cond3A_87 : i32
        scf.if %cond3A_88 {
          %get3A = arith.constant 0 : index
          %get3A_89 = tpu.vector_load %arg12[%get3A] {strides = array<i32>} : memref<144xf32, #tpu.memory_space<vmem>>, vector<16xf32>,
          %get3A_90 = arith.constant 912 : index
          %get3A_91 = tpu.vector_load %arg9[%get3A_90] {strides = array<i32>} : memref<1408xf32, #tpu.memory_space<vmem>>, vector<16xf32>,
          %gt3A = arith.constant 0.000000e+00 : f32
          %gt3A_92 = vector.broadcast %gt3A : f32 to vector<16xf32>
          %gt3A_93 = arith.cmpf ogt, %get3A_89, %gt3A_92 : vector<16xf32>
          %select_n3A_94 = arith.select %gt3A_93, %get3A_91, %broadcast_in_dim3A_1 : vector<16xi1>, vector<16xf32>
          %swap3A_95 = arith.constant 912 : index
          %swap3A_96 = tpu.vector_load %arg9[%swap3A_95] {strides = array<i32>} : memref<1408xf32, #tpu.memory_space<vmem>>, vector<16xf32>,
          tpu.vector_store %arg9[%swap3A_95], %select_n3A_94 {strides = array<i32>} : memref<1408xf32, #tpu.memory_space<vmem>>, vector<16xf32>,
          %get3A_97 = arith.constant 16 : index
          %get3A_98 = tpu.vector_load %arg12[%get3A_97] {strides = array<i32>} : memref<144xf32, #tpu.memory_space<vmem>>, vector<16xf32>,
          %get3A_99 = arith.constant 928 : index
          %get3A_100 = tpu.vector_load %arg9[%get3A_99] {strides = array<i32>} : memref<1408xf32, #tpu.memory_space<vmem>>, vector<16xf32>,
          %gt3A_101 = arith.constant 0.000000e+00 : f32
          %gt3A_102 = vector.broadcast %gt3A_101 : f32 to vector<16xf32>
          %gt3A_103 = arith.cmpf ogt, %get3A_98, %gt3A_102 : vector<16xf32>
          %select_n3A_104 = arith.select %gt3A_103, %get3A_100, %broadcast_in_dim3A_1 : vector<16xi1>, vector<16xf32>
          %swap3A_105 = arith.constant 928 : index
          %swap3A_106 = tpu.vector_load %arg9[%swap3A_105] {strides = array<i32>} : memref<1408xf32, #tpu.memory_space<vmem>>, vector<16xf32>,
          tpu.vector_store %arg9[%swap3A_105], %select_n3A_104 {strides = array<i32>} : memref<1408xf32, #tpu.memory_space<vmem>>, vector<16xf32>,
          %get3A_107 = arith.constant 32 : index
          %get3A_108 = tpu.vector_load %arg12[%get3A_107] {strides = array<i32>} : memref<144xf32, #tpu.memory_space<vmem>>, vector<16xf32>,
          %get3A_109 = arith.constant 944 : index
          %get3A_110 = tpu.vector_load %arg9[%get3A_109] {strides = array<i32>} : memref<1408xf32, #tpu.memory_space<vmem>>, vector<16xf32>,
          %gt3A_111 = arith.constant 0.000000e+00 : f32
          %gt3A_112 = vector.broadcast %gt3A_111 : f32 to vector<16xf32>
          %gt3A_113 = arith.cmpf ogt, %get3A_108, %gt3A_112 : vector<16xf32>
          %select_n3A_114 = arith.select %gt3A_113, %get3A_110, %broadcast_in_dim3A_1 : vector<16xi1>, vector<16xf32>
          %swap3A_115 = arith.constant 944 : index
          %swap3A_116 = tpu.vector_load %arg9[%swap3A_115] {strides = array<i32>} : memref<1408xf32, #tpu.memory_space<vmem>>, vector<16xf32>,
          tpu.vector_store %arg9[%swap3A_115], %select_n3A_114 {strides = array<i32>} : memref<1408xf32, #tpu.memory_space<vmem>>, vector<16xf32>,
          %get3A_117 = arith.constant 48 : index
          %get3A_118 = tpu.vector_load %arg12[%get3A_117] {strides = array<i32>} : memref<144xf32, #tpu.memory_space<vmem>>, vector<16xf32>,
          %get3A_119 = arith.constant 960 : index
          %get3A_120 = tpu.vector_load %arg9[%get3A_119] {strides = array<i32>} : memref<1408xf32, #tpu.memory_space<vmem>>, vector<16xf32>,
          %gt3A_121 = arith.constant 0.000000e+00 : f32
          %gt3A_122 = vector.broadcast %gt3A_121 : f32 to vector<16xf32>
          %gt3A_123 = arith.cmpf ogt, %get3A_118, %gt3A_122 : vector<16xf32>
          %select_n3A_124 = arith.select %gt3A_123, %get3A_120, %broadcast_in_dim3A_1 : vector<16xi1>, vector<16xf32>
          %swap3A_125 = arith.constant 960 : index
          %swap3A_126 = tpu.vector_load %arg9[%swap3A_125] {strides = array<i32>} : memref<1408xf32, #tpu.memory_space<vmem>>, vector<16xf32>,
          tpu.vector_store %arg9[%swap3A_125], %select_n3A_124 {strides = array<i32>} : memref<1408xf32, #tpu.memory_space<vmem>>, vector<16xf32>,
          %get3A_127 = arith.constant 64 : index
          %get3A_128 = tpu.vector_load %arg12[%get3A_127] {strides = array<i32>} : memref<144xf32, #tpu.memory_space<vmem>>, vector<16xf32>,
          %get3A_129 = arith.constant 976 : index
          %get3A_130 = tpu.vector_load %arg9[%get3A_129] {strides = array<i32>} : memref<1408xf32, #tpu.memory_space<vmem>>, vector<16xf32>,
          %gt3A_131 = arith.constant 0.000000e+00 : f32
          %gt3A_132 = vector.broadcast %gt3A_131 : f32 to vector<16xf32>
          %gt3A_133 = arith.cmpf ogt, %get3A_128, %gt3A_132 : vector<16xf32>
          %select_n3A_134 = arith.select %gt3A_133, %get3A_130, %broadcast_in_dim3A_1 : vector<16xi1>, vector<16xf32>
          %swap3A_135 = arith.constant 976 : index
          %swap3A_136 = tpu.vector_load %arg9[%swap3A_135] {strides = array<i32>} : memref<1408xf32, #tpu.memory_space<vmem>>, vector<16xf32>,
          tpu.vector_store %arg9[%swap3A_135], %select_n3A_134 {strides = array<i32>} : memref<1408xf32, #tpu.memory_space<vmem>>, vector<16xf32>,
          %get3A_137 = arith.constant 80 : index
          %get3A_138 = tpu.vector_load %arg12[%get3A_137] {strides = array<i32>} : memref<144xf32, #tpu.memory_space<vmem>>, vector<16xf32>,
          %get3A_139 = arith.constant 992 : index
          %get3A_140 = tpu.vector_load %arg9[%get3A_139] {strides = array<i32>} : memref<1408xf32, #tpu.memory_space<vmem>>, vector<16xf32>,
          %gt3A_141 = arith.constant 0.000000e+00 : f32
          %gt3A_142 = vector.broadcast %gt3A_141 : f32 to vector<16xf32>
          %gt3A_143 = arith.cmpf ogt, %get3A_138, %gt3A_142 : vector<16xf32>
          %select_n3A_144 = arith.select %gt3A_143, %get3A_140, %broadcast_in_dim3A_1 : vector<16xi1>, vector<16xf32>
          %swap3A_145 = arith.constant 992 : index
          %swap3A_146 = tpu.vector_load %arg9[%swap3A_145] {strides = array<i32>} : memref<1408xf32, #tpu.memory_space<vmem>>, vector<16xf32>,
          tpu.vector_store %arg9[%swap3A_145], %select_n3A_144 {strides = array<i32>} : memref<1408xf32, #tpu.memory_space<vmem>>, vector<16xf32>,
          %get3A_147 = arith.constant 96 : index
          %get3A_148 = tpu.vector_load %arg12[%get3A_147] {strides = array<i32>} : memref<144xf32, #tpu.memory_space<vmem>>, vector<16xf32>,
          %get3A_149 = arith.constant 1008 : index
          %get3A_150 = tpu.vector_load %arg9[%get3A_149] {strides = array<i32>} : memref<1408xf32, #tpu.memory_space<vmem>>, vector<16xf32>,
          %gt3A_151 = arith.constant 0.000000e+00 : f32
          %gt3A_152 = vector.broadcast %gt3A_151 : f32 to vector<16xf32>
          %gt3A_153 = arith.cmpf ogt, %get3A_148, %gt3A_152 : vector<16xf32>
          %select_n3A_154 = arith.select %gt3A_153, %get3A_150, %broadcast_in_dim3A_1 : vector<16xi1>, vector<16xf32>
          %swap3A_155 = arith.constant 1008 : index
          %swap3A_156 = tpu.vector_load %arg9[%swap3A_155] {strides = array<i32>} : memref<1408xf32, #tpu.memory_space<vmem>>, vector<16xf32>,
          tpu.vector_store %arg9[%swap3A_155], %select_n3A_154 {strides = array<i32>} : memref<1408xf32, #tpu.memory_space<vmem>>, vector<16xf32>,
          %get3A_157 = arith.constant 112 : index
          %get3A_158 = tpu.vector_load %arg12[%get3A_157] {strides = array<i32>} : memref<144xf32, #tpu.memory_space<vmem>>, vector<16xf32>,
          %get3A_159 = arith.constant 1024 : index
          %get3A_160 = tpu.vector_load %arg9[%get3A_159] {strides = array<i32>} : memref<1408xf32, #tpu.memory_space<vmem>>, vector<16xf32>,
          %gt3A_161 = arith.constant 0.000000e+00 : f32
          %gt3A_162 = vector.broadcast %gt3A_161 : f32 to vector<16xf32>
          %gt3A_163 = arith.cmpf ogt, %get3A_158, %gt3A_162 : vector<16xf32>
          %select_n3A_164 = arith.select %gt3A_163, %get3A_160, %broadcast_in_dim3A_1 : vector<16xi1>, vector<16xf32>
          %swap3A_165 = arith.constant 1024 : index
          %swap3A_166 = tpu.vector_load %arg9[%swap3A_165] {strides = array<i32>} : memref<1408xf32, #tpu.memory_space<vmem>>, vector<16xf32>,
          tpu.vector_store %arg9[%swap3A_165], %select_n3A_164 {strides = array<i32>} : memref<1408xf32, #tpu.memory_space<vmem>>, vector<16xf32>,
          %get3A_167 = arith.constant 128 : index
          %get3A_168 = tpu.vector_load %arg12[%get3A_167] {strides = array<i32>} : memref<144xf32, #tpu.memory_space<vmem>>, vector<16xf32>,
          %get3A_169 = arith.constant 1040 : index
          %get3A_170 = tpu.vector_load %arg9[%get3A_169] {strides = array<i32>} : memref<1408xf32, #tpu.memory_space<vmem>>, vector<16xf32>,
          %gt3A_171 = arith.constant 0.000000e+00 : f32
          %gt3A_172 = vector.broadcast %gt3A_171 : f32 to vector<16xf32>
          %gt3A_173 = arith.cmpf ogt, %get3A_168, %gt3A_172 : vector<16xf32>
          %select_n3A_174 = arith.select %gt3A_173, %get3A_170, %broadcast_in_dim3A_1 : vector<16xi1>, vector<16xf32>
          %swap3A_175 = arith.constant 1040 : index
          %swap3A_176 = tpu.vector_load %arg9[%swap3A_175] {strides = array<i32>} : memref<1408xf32, #tpu.memory_space<vmem>>, vector<16xf32>,
          tpu.vector_store %arg9[%swap3A_175], %select_n3A_174 {strides = array<i32>} : memref<1408xf32, #tpu.memory_space<vmem>>, vector<16xf32>,
        } else {
        }
      } else {
      }
      %eq3A_26 = arith.constant 3 : i32
      %eq3A_27 = arith.cmpi eq, %squeeze3A_19, %eq3A_26 : i32
      %convert_element_type3A_28 = arith.extui %eq3A_27 : i1 to i32
      %cond3A_29 = arith.constant 0 : i32
      %cond3A_30 = arith.cmpi ne, %convert_element_type3A_28, %cond3A_29 : i32
      scf.if %cond3A_30 {
        %mul3A_32 = arith.constant 11 : i32
        %mul3A_33 = arith.muli %squeeze3A, %mul3A_32 : i32
        %add3A_34 = arith.addi %mul3A_23, %mul3A_33 : i32
        %jit3A = arith.constant 8 : i32
        %div3A = arith.divsi %add3A_34, %jit3A : i32
        %sign3A = arith.constant 0 : i32
        %sign3A_35 = arith.cmpi sgt, %add3A_34, %sign3A : i32
        %sign3A_36 = arith.extui %sign3A_35 : i1 to i32
        %sign3A_37 = arith.constant 0 : i32
        %sign3A_38 = arith.cmpi slt, %add3A_34, %sign3A_37 : i32
        %sign3A_39 = arith.extui %sign3A_38 : i1 to i32
        %sign3A_40 = arith.subi %sign3A_36, %sign3A_39 : i32
        %sign3A_41 = arith.constant 0 : i32
        %sign3A_42 = arith.cmpi sgt, %jit3A, %sign3A_41 : i32
        %sign3A_43 = arith.extui %sign3A_42 : i1 to i32
        %sign3A_44 = arith.constant 0 : i32
        %sign3A_45 = arith.cmpi slt, %jit3A, %sign3A_44 : i32
        %sign3A_46 = arith.extui %sign3A_45 : i1 to i32
        %sign3A_47 = arith.subi %sign3A_43, %sign3A_46 : i32
        %ne3A = arith.cmpi ne, %sign3A_40, %sign3A_47 : i32
        %rem3A = arith.remsi %add3A_34, %jit3A : i32
        %ne3A_48 = arith.constant 0 : i32
        %ne3A_49 = arith.cmpi ne, %rem3A, %ne3A_48 : i32
        %and3A = arith.andi %ne3A, %ne3A_49 : i1
        %sub3A = arith.constant 1 : i32
        %sub3A_50 = arith.subi %div3A, %sub3A : i32
        %select_n3A = arith.select %and3A, %sub3A_50, %div3A : i32
        %mul3A_51 = arith.constant 8 : i32
        %mul3A_52 = arith.muli %select_n3A, %mul3A_51 : i32
        %sub3A_53 = arith.subi %add3A_34, %mul3A_52 : i32
        "tpu.region"() ({
          %run_scoped3A = tpu.sem_alloc : memref<!tpu.dma_semaphore, #tpu.memory_space<semaphore_mem>>
          %dma_start3A = arith.constant 0 : i32
          %dma_start3A_521 = tpu.memref_slice %arg11[%dma_start3A] : memref<32xi32, #tpu.memory_space<vmem>> -> memref<24xi32, #tpu.memory_space<vmem>>
          %dma_start3A_522 = tpu.memref_slice %arg4[%mul3A_52] : memref<17298704xi32, #tpu.memory_space<hbm>> -> memref<24xi32, #tpu.memory_space<hbm>>
          %dma_start3A_523 = arith.constant 0 : i32
          %dma_start3A_524 = tpu.memref_slice %arg11[%dma_start3A_523] : memref<32xi32, #tpu.memory_space<vmem>> -> memref<24xi32, #tpu.memory_space<vmem>>
          %dma_start3A_525 = tpu.memref_slice %arg4[%mul3A_52] : memref<17298704xi32, #tpu.memory_space<hbm>> -> memref<24xi32, #tpu.memory_space<hbm>>
          tpu.enqueue_dma source(%dma_start3A_525 : memref<24xi32, #tpu.memory_space<hbm>>) target(%dma_start3A_524 : memref<24xi32, #tpu.memory_space<vmem>>) target_semaphore(%run_scoped3A : memref<!tpu.dma_semaphore, #tpu.memory_space<semaphore_mem>>)
          %dma_wait3A = arith.constant 0 : i32
          %dma_wait3A_526 = tpu.memref_slice %arg11[%dma_wait3A] : memref<32xi32, #tpu.memory_space<vmem>> -> memref<24xi32, #tpu.memory_space<vmem>>
          %dma_wait3A_527 = tpu.memref_slice %arg4[%mul3A_52] : memref<17298704xi32, #tpu.memory_space<hbm>> -> memref<24xi32, #tpu.memory_space<hbm>>
          %dma_wait3A_528 = arith.constant 0 : i32
          %dma_wait3A_529 = tpu.memref_slice %arg11[%dma_wait3A_528] : memref<32xi32, #tpu.memory_space<vmem>> -> memref<24xi32, #tpu.memory_space<vmem>>
          %dma_wait3A_530 = tpu.memref_slice %arg4[%mul3A_52] : memref<17298704xi32, #tpu.memory_space<hbm>> -> memref<24xi32, #tpu.memory_space<hbm>>
          tpu.wait_dma2 semaphore(%run_scoped3A : memref<!tpu.dma_semaphore, #tpu.memory_space<semaphore_mem>>) src(%dma_wait3A_530 : memref<24xi32, #tpu.memory_space<hbm>>) dst(%dma_wait3A_529 : memref<24xi32, #tpu.memory_space<vmem>>)
          tpu.yield
        }) : () -> ()
        %add3A_54 = arith.constant 1 : i32
        %add3A_55 = vector.broadcast %add3A_54 : i32 to vector<16xi32>
        %add3A_56 = arith.addi %add3A_55, %iota3A : vector<16xi32>
        %min3A = arith.constant 3 : i32
        %min3A_57 = vector.broadcast %min3A : i32 to vector<16xi32>
        %min3A_58 = arith.minsi %add3A_56, %min3A_57 : vector<16xi32>
        %add3A_59 = vector.broadcast %sub3A_53 : i32 to vector<16xi32>
        %add3A_60 = arith.addi %add3A_59, %min3A_58 : vector<16xi32>
        %gather3A_61 = tpu.vector_load_idx %arg11[%add3A_60] : memref<32xi32, #tpu.memory_space<vmem>>[vector<16xi32>], vector<16xi32>,
        %slice3A_62 = vector.extract_strided_slice %gather3A_61 {offsets = [0], sizes = [1], strides = [1]} : vector<16xi32> to vector<1xi32>
        %squeeze3A_63 = vector.extract %slice3A_62[0] : i32 from vector<1xi32>
        %get3A = arith.constant 0 : index
        %get3A_64 = tpu.vector_load %arg9[%get3A] {strides = array<i32>} : memref<1408xf32, #tpu.memory_space<vmem>>, vector<16xf32>,
        %scan3A_65 = arith.constant 1 : i32
        %scan3A_66 = arith.constant 31 : i32
        %scan3A_67 = arith.addi %scan3A_65, %scan3A_66 : i32
        %scan3A_68 = arith.constant 1 : i32
        %scan3A_69:2 = scf.for %scan3A_521 = %scan3A_65 to %scan3A_67 step %scan3A_68 iter_args(%scan3A_522 = %get3A_64, %scan3A_523 = %iota3A) -> (vector<16xf32>, vector<16xi32>)  : i32 {
          %mul3A_524 = arith.constant 16 : i32
          %mul3A_525 = arith.muli %scan3A_521, %mul3A_524 : i32
          %get3A_526 = arith.index_cast %mul3A_525 : i32 to index
          %get3A_527 = tpu.vector_load %arg9[%get3A_526] {strides = array<i32>} : memref<1408xf32, #tpu.memory_space<vmem>>, vector<16xf32>,
          %mul3A_528 = arith.constant 16 : i32
          %mul3A_529 = arith.muli %scan3A_521, %mul3A_528 : i32
          %add3A_530 = vector.broadcast %mul3A_529 : i32 to vector<16xi32>
          %add3A_531 = arith.addi %add3A_530, %iota3A : vector<16xi32>
          %gt3A = arith.cmpf ogt, %get3A_527, %scan3A_522 : vector<16xf32>
          %select_n3A_532 = arith.select %gt3A, %get3A_527, %scan3A_522 : vector<16xi1>, vector<16xf32>
          %select_n3A_533 = arith.select %gt3A, %add3A_531, %scan3A_523 : vector<16xi1>, vector<16xi32>
          scf.yield %select_n3A_532, %select_n3A_533 : vector<16xf32>, vector<16xi32>
        }
        %scan3A_70 = arith.constant 31 : i32
        %reduce_max3A = arith.constant true
        %reduce_max3A_71 = vector.broadcast %reduce_max3A : i1 to vector<16xi1>
        %reduce_max3A_72 = tpu.scan <max>, %scan3A_69#0 masked %reduce_max3A_71 : vector<16xf32>, vector<16xi1> -> vector<16xf32>
        %reduce_max3A_73 = vector.extract %reduce_max3A_72[15] : f32 from vector<16xf32>
        %eq3A_74 = vector.broadcast %reduce_max3A_73 : f32 to vector<16xf32>
        %eq3A_75 = arith.cmpf oeq, %scan3A_69#0, %eq3A_74 : vector<16xf32>
        %jit3A_76 = arith.constant 1073741824 : i32
        %broadcast_in_dim3A_77 = vector.broadcast %jit3A_76 : i32 to vector<16xi32>
        %select_n3A_78 = arith.select %eq3A_75, %scan3A_69#1, %broadcast_in_dim3A_77 : vector<16xi1>, vector<16xi32>
        %reduce_min3A = arith.constant true
        %reduce_min3A_79 = vector.broadcast %reduce_min3A : i1 to vector<16xi1>
        %reduce_min3A_80 = arith.constant -2147483648 : i32
        %reduce_min3A_81 = vector.broadcast %reduce_min3A_80 : i32 to vector<16xi32>
        %reduce_min3A_82 = arith.xori %select_n3A_78, %reduce_min3A_81 : vector<16xi32>
        %reduce_min3A_83 = tpu.scan <min>, %reduce_min3A_82 masked %reduce_min3A_79 : vector<16xi32>, vector<16xi1> -> vector<16xi32>
        %reduce_min3A_84 = arith.xori %reduce_min3A_83, %reduce_min3A_81 : vector<16xi32>
        %reduce_min3A_85 = vector.extract %reduce_min3A_84[15] : i32 from vector<16xi32>
        %eq3A_86 = arith.cmpi eq, %reduce_min3A_85, %squeeze3A_63 : i32
        %slice3A_87 = vector.extract_strided_slice %gather3A_61 {offsets = [1], sizes = [1], strides = [1]} : vector<16xi32> to vector<1xi32>
        %squeeze3A_88 = vector.extract %slice3A_87[0] : i32 from vector<1xi32>
        %jit3A_89 = arith.constant 0 : i32
        %select_n3A_90 = arith.select %eq3A_86, %squeeze3A_88, %jit3A_89 : i32
        %get3A_91 = arith.constant 512 : index
        %get3A_92 = tpu.vector_load %arg9[%get3A_91] {strides = array<i32>} : memref<1408xf32, #tpu.memory_space<vmem>>, vector<16xf32>,
        %reduce_max3A_93 = arith.constant true
        %reduce_max3A_94 = vector.broadcast %reduce_max3A_93 : i1 to vector<16xi1>
        %reduce_max3A_95 = tpu.scan <max>, %get3A_92 masked %reduce_max3A_94 : vector<16xf32>, vector<16xi1> -> vector<16xf32>
        %reduce_max3A_96 = vector.extract %reduce_max3A_95[15] : f32 from vector<16xf32>
        %eq3A_97 = vector.broadcast %reduce_max3A_96 : f32 to vector<16xf32>
        %eq3A_98 = arith.cmpf oeq, %get3A_92, %eq3A_97 : vector<16xf32>
        %jit3A_99 = arith.constant 1073741824 : i32
        %broadcast_in_dim3A_100 = vector.broadcast %jit3A_99 : i32 to vector<16xi32>
        %select_n3A_101 = arith.select %eq3A_98, %iota3A, %broadcast_in_dim3A_100 : vector<16xi1>, vector<16xi32>
        %reduce_min3A_102 = arith.constant true
        %reduce_min3A_103 = vector.broadcast %reduce_min3A_102 : i1 to vector<16xi1>
        %reduce_min3A_104 = arith.constant -2147483648 : i32
        %reduce_min3A_105 = vector.broadcast %reduce_min3A_104 : i32 to vector<16xi32>
        %reduce_min3A_106 = arith.xori %select_n3A_101, %reduce_min3A_105 : vector<16xi32>
        %reduce_min3A_107 = tpu.scan <min>, %reduce_min3A_106 masked %reduce_min3A_103 : vector<16xi32>, vector<16xi1> -> vector<16xi32>
        %reduce_min3A_108 = arith.xori %reduce_min3A_107, %reduce_min3A_105 : vector<16xi32>
        %reduce_min3A_109 = vector.extract %reduce_min3A_108[15] : i32 from vector<16xi32>
        %eq3A_110 = arith.cmpi eq, %reduce_min3A_109, %select_n3A_90 : i32
        %and3A_111 = arith.andi %eq3A_86, %eq3A_110 : i1
        %slice3A_112 = vector.extract_strided_slice %gather3A_61 {offsets = [2], sizes = [1], strides = [1]} : vector<16xi32> to vector<1xi32>
        %squeeze3A_113 = vector.extract %slice3A_112[0] : i32 from vector<1xi32>
        %jit3A_114 = arith.constant 0 : i32
        %select_n3A_115 = arith.select %and3A_111, %squeeze3A_113, %jit3A_114 : i32
        %get3A_116 = arith.constant 0 : index
        %get3A_117 = tpu.vector_load %arg9[%get3A_116] {strides = array<i32>} : memref<1408xf32, #tpu.memory_space<vmem>>, vector<16xf32>,
        %add3A_118 = arith.constant 0 : i32
        %add3A_119 = vector.broadcast %add3A_118 : i32 to vector<16xi32>
        %add3A_120 = arith.addi %add3A_119, %iota3A : vector<16xi32>
        %ge3A = vector.broadcast %squeeze3A_63 : i32 to vector<16xi32>
        %ge3A_121 = arith.cmpi sge, %add3A_120, %ge3A : vector<16xi32>
        %select_n3A_122 = arith.select %ge3A_121, %get3A_117, %broadcast_in_dim3A_1 : vector<16xi1>, vector<16xf32>
        %swap3A = arith.constant 0 : index
        %swap3A_123 = tpu.vector_load %arg9[%swap3A] {strides = array<i32>} : memref<1408xf32, #tpu.memory_space<vmem>>, vector<16xf32>,
        tpu.vector_store %arg9[%swap3A], %select_n3A_122 {strides = array<i32>} : memref<1408xf32, #tpu.memory_space<vmem>>, vector<16xf32>,
        %get3A_124 = arith.constant 16 : index
        %get3A_125 = tpu.vector_load %arg9[%get3A_124] {strides = array<i32>} : memref<1408xf32, #tpu.memory_space<vmem>>, vector<16xf32>,
        %add3A_126 = arith.constant 16 : i32
        %add3A_127 = vector.broadcast %add3A_126 : i32 to vector<16xi32>
        %add3A_128 = arith.addi %add3A_127, %iota3A : vector<16xi32>
        %ge3A_129 = vector.broadcast %squeeze3A_63 : i32 to vector<16xi32>
        %ge3A_130 = arith.cmpi sge, %add3A_128, %ge3A_129 : vector<16xi32>
        %select_n3A_131 = arith.select %ge3A_130, %get3A_125, %broadcast_in_dim3A_1 : vector<16xi1>, vector<16xf32>
        %swap3A_132 = arith.constant 16 : index
        %swap3A_133 = tpu.vector_load %arg9[%swap3A_132] {strides = array<i32>} : memref<1408xf32, #tpu.memory_space<vmem>>, vector<16xf32>,
        tpu.vector_store %arg9[%swap3A_132], %select_n3A_131 {strides = array<i32>} : memref<1408xf32, #tpu.memory_space<vmem>>, vector<16xf32>,
        %get3A_134 = arith.constant 32 : index
        %get3A_135 = tpu.vector_load %arg9[%get3A_134] {strides = array<i32>} : memref<1408xf32, #tpu.memory_space<vmem>>, vector<16xf32>,
        %add3A_136 = arith.constant 32 : i32
        %add3A_137 = vector.broadcast %add3A_136 : i32 to vector<16xi32>
        %add3A_138 = arith.addi %add3A_137, %iota3A : vector<16xi32>
        %ge3A_139 = vector.broadcast %squeeze3A_63 : i32 to vector<16xi32>
        %ge3A_140 = arith.cmpi sge, %add3A_138, %ge3A_139 : vector<16xi32>
        %select_n3A_141 = arith.select %ge3A_140, %get3A_135, %broadcast_in_dim3A_1 : vector<16xi1>, vector<16xf32>
        %swap3A_142 = arith.constant 32 : index
        %swap3A_143 = tpu.vector_load %arg9[%swap3A_142] {strides = array<i32>} : memref<1408xf32, #tpu.memory_space<vmem>>, vector<16xf32>,
        tpu.vector_store %arg9[%swap3A_142], %select_n3A_141 {strides = array<i32>} : memref<1408xf32, #tpu.memory_space<vmem>>, vector<16xf32>,
        %get3A_144 = arith.constant 48 : index
        %get3A_145 = tpu.vector_load %arg9[%get3A_144] {strides = array<i32>} : memref<1408xf32, #tpu.memory_space<vmem>>, vector<16xf32>,
        %add3A_146 = arith.constant 48 : i32
        %add3A_147 = vector.broadcast %add3A_146 : i32 to vector<16xi32>
        %add3A_148 = arith.addi %add3A_147, %iota3A : vector<16xi32>
        %ge3A_149 = vector.broadcast %squeeze3A_63 : i32 to vector<16xi32>
        %ge3A_150 = arith.cmpi sge, %add3A_148, %ge3A_149 : vector<16xi32>
        %select_n3A_151 = arith.select %ge3A_150, %get3A_145, %broadcast_in_dim3A_1 : vector<16xi1>, vector<16xf32>
        %swap3A_152 = arith.constant 48 : index
        %swap3A_153 = tpu.vector_load %arg9[%swap3A_152] {strides = array<i32>} : memref<1408xf32, #tpu.memory_space<vmem>>, vector<16xf32>,
        tpu.vector_store %arg9[%swap3A_152], %select_n3A_151 {strides = array<i32>} : memref<1408xf32, #tpu.memory_space<vmem>>, vector<16xf32>,
        %get3A_154 = arith.constant 64 : index
        %get3A_155 = tpu.vector_load %arg9[%get3A_154] {strides = array<i32>} : memref<1408xf32, #tpu.memory_space<vmem>>, vector<16xf32>,
        %add3A_156 = arith.constant 64 : i32
        %add3A_157 = vector.broadcast %add3A_156 : i32 to vector<16xi32>
        %add3A_158 = arith.addi %add3A_157, %iota3A : vector<16xi32>
        %ge3A_159 = vector.broadcast %squeeze3A_63 : i32 to vector<16xi32>
        %ge3A_160 = arith.cmpi sge, %add3A_158, %ge3A_159 : vector<16xi32>
        %select_n3A_161 = arith.select %ge3A_160, %get3A_155, %broadcast_in_dim3A_1 : vector<16xi1>, vector<16xf32>
        %swap3A_162 = arith.constant 64 : index
        %swap3A_163 = tpu.vector_load %arg9[%swap3A_162] {strides = array<i32>} : memref<1408xf32, #tpu.memory_space<vmem>>, vector<16xf32>,
        tpu.vector_store %arg9[%swap3A_162], %select_n3A_161 {strides = array<i32>} : memref<1408xf32, #tpu.memory_space<vmem>>, vector<16xf32>,
        %get3A_164 = arith.constant 80 : index
        %get3A_165 = tpu.vector_load %arg9[%get3A_164] {strides = array<i32>} : memref<1408xf32, #tpu.memory_space<vmem>>, vector<16xf32>,
        %add3A_166 = arith.constant 80 : i32
        %add3A_167 = vector.broadcast %add3A_166 : i32 to vector<16xi32>
        %add3A_168 = arith.addi %add3A_167, %iota3A : vector<16xi32>
        %ge3A_169 = vector.broadcast %squeeze3A_63 : i32 to vector<16xi32>
        %ge3A_170 = arith.cmpi sge, %add3A_168, %ge3A_169 : vector<16xi32>
        %select_n3A_171 = arith.select %ge3A_170, %get3A_165, %broadcast_in_dim3A_1 : vector<16xi1>, vector<16xf32>
        %swap3A_172 = arith.constant 80 : index
        %swap3A_173 = tpu.vector_load %arg9[%swap3A_172] {strides = array<i32>} : memref<1408xf32, #tpu.memory_space<vmem>>, vector<16xf32>,
        tpu.vector_store %arg9[%swap3A_172], %select_n3A_171 {strides = array<i32>} : memref<1408xf32, #tpu.memory_space<vmem>>, vector<16xf32>,
        %get3A_174 = arith.constant 96 : index
        %get3A_175 = tpu.vector_load %arg9[%get3A_174] {strides = array<i32>} : memref<1408xf32, #tpu.memory_space<vmem>>, vector<16xf32>,
        %add3A_176 = arith.constant 96 : i32
        %add3A_177 = vector.broadcast %add3A_176 : i32 to vector<16xi32>
        %add3A_178 = arith.addi %add3A_177, %iota3A : vector<16xi32>
        %ge3A_179 = vector.broadcast %squeeze3A_63 : i32 to vector<16xi32>
        %ge3A_180 = arith.cmpi sge, %add3A_178, %ge3A_179 : vector<16xi32>
        %select_n3A_181 = arith.select %ge3A_180, %get3A_175, %broadcast_in_dim3A_1 : vector<16xi1>, vector<16xf32>
        %swap3A_182 = arith.constant 96 : index
        %swap3A_183 = tpu.vector_load %arg9[%swap3A_182] {strides = array<i32>} : memref<1408xf32, #tpu.memory_space<vmem>>, vector<16xf32>,
        tpu.vector_store %arg9[%swap3A_182], %select_n3A_181 {strides = array<i32>} : memref<1408xf32, #tpu.memory_space<vmem>>, vector<16xf32>,
        %get3A_184 = arith.constant 112 : index
        %get3A_185 = tpu.vector_load %arg9[%get3A_184] {strides = array<i32>} : memref<1408xf32, #tpu.memory_space<vmem>>, vector<16xf32>,
        %add3A_186 = arith.constant 112 : i32
        %add3A_187 = vector.broadcast %add3A_186 : i32 to vector<16xi32>
        %add3A_188 = arith.addi %add3A_187, %iota3A : vector<16xi32>
        %ge3A_189 = vector.broadcast %squeeze3A_63 : i32 to vector<16xi32>
        %ge3A_190 = arith.cmpi sge, %add3A_188, %ge3A_189 : vector<16xi32>
        %select_n3A_191 = arith.select %ge3A_190, %get3A_185, %broadcast_in_dim3A_1 : vector<16xi1>, vector<16xf32>
        %swap3A_192 = arith.constant 112 : index
        %swap3A_193 = tpu.vector_load %arg9[%swap3A_192] {strides = array<i32>} : memref<1408xf32, #tpu.memory_space<vmem>>, vector<16xf32>,
        tpu.vector_store %arg9[%swap3A_192], %select_n3A_191 {strides = array<i32>} : memref<1408xf32, #tpu.memory_space<vmem>>, vector<16xf32>,
        %get3A_194 = arith.constant 128 : index
        %get3A_195 = tpu.vector_load %arg9[%get3A_194] {strides = array<i32>} : memref<1408xf32, #tpu.memory_space<vmem>>, vector<16xf32>,
        %add3A_196 = arith.constant 128 : i32
        %add3A_197 = vector.broadcast %add3A_196 : i32 to vector<16xi32>
        %add3A_198 = arith.addi %add3A_197, %iota3A : vector<16xi32>
        %ge3A_199 = vector.broadcast %squeeze3A_63 : i32 to vector<16xi32>
        %ge3A_200 = arith.cmpi sge, %add3A_198, %ge3A_199 : vector<16xi32>
        %select_n3A_201 = arith.select %ge3A_200, %get3A_195, %broadcast_in_dim3A_1 : vector<16xi1>, vector<16xf32>
        %swap3A_202 = arith.constant 128 : index
        %swap3A_203 = tpu.vector_load %arg9[%swap3A_202] {strides = array<i32>} : memref<1408xf32, #tpu.memory_space<vmem>>, vector<16xf32>,
        tpu.vector_store %arg9[%swap3A_202], %select_n3A_201 {strides = array<i32>} : memref<1408xf32, #tpu.memory_space<vmem>>, vector<16xf32>,
        %get3A_204 = arith.constant 144 : index
        %get3A_205 = tpu.vector_load %arg9[%get3A_204] {strides = array<i32>} : memref<1408xf32, #tpu.memory_space<vmem>>, vector<16xf32>,
        %add3A_206 = arith.constant 144 : i32
        %add3A_207 = vector.broadcast %add3A_206 : i32 to vector<16xi32>
        %add3A_208 = arith.addi %add3A_207, %iota3A : vector<16xi32>
        %ge3A_209 = vector.broadcast %squeeze3A_63 : i32 to vector<16xi32>
        %ge3A_210 = arith.cmpi sge, %add3A_208, %ge3A_209 : vector<16xi32>
        %select_n3A_211 = arith.select %ge3A_210, %get3A_205, %broadcast_in_dim3A_1 : vector<16xi1>, vector<16xf32>
        %swap3A_212 = arith.constant 144 : index
        %swap3A_213 = tpu.vector_load %arg9[%swap3A_212] {strides = array<i32>} : memref<1408xf32, #tpu.memory_space<vmem>>, vector<16xf32>,
        tpu.vector_store %arg9[%swap3A_212], %select_n3A_211 {strides = array<i32>} : memref<1408xf32, #tpu.memory_space<vmem>>, vector<16xf32>,
        %get3A_214 = arith.constant 160 : index
        %get3A_215 = tpu.vector_load %arg9[%get3A_214] {strides = array<i32>} : memref<1408xf32, #tpu.memory_space<vmem>>, vector<16xf32>,
        %add3A_216 = arith.constant 160 : i32
        %add3A_217 = vector.broadcast %add3A_216 : i32 to vector<16xi32>
        %add3A_218 = arith.addi %add3A_217, %iota3A : vector<16xi32>
        %ge3A_219 = vector.broadcast %squeeze3A_63 : i32 to vector<16xi32>
        %ge3A_220 = arith.cmpi sge, %add3A_218, %ge3A_219 : vector<16xi32>
        %select_n3A_221 = arith.select %ge3A_220, %get3A_215, %broadcast_in_dim3A_1 : vector<16xi1>, vector<16xf32>
        %swap3A_222 = arith.constant 160 : index
        %swap3A_223 = tpu.vector_load %arg9[%swap3A_222] {strides = array<i32>} : memref<1408xf32, #tpu.memory_space<vmem>>, vector<16xf32>,
        tpu.vector_store %arg9[%swap3A_222], %select_n3A_221 {strides = array<i32>} : memref<1408xf32, #tpu.memory_space<vmem>>, vector<16xf32>,
        %get3A_224 = arith.constant 176 : index
        %get3A_225 = tpu.vector_load %arg9[%get3A_224] {strides = array<i32>} : memref<1408xf32, #tpu.memory_space<vmem>>, vector<16xf32>,
        %add3A_226 = arith.constant 176 : i32
        %add3A_227 = vector.broadcast %add3A_226 : i32 to vector<16xi32>
        %add3A_228 = arith.addi %add3A_227, %iota3A : vector<16xi32>
        %ge3A_229 = vector.broadcast %squeeze3A_63 : i32 to vector<16xi32>
        %ge3A_230 = arith.cmpi sge, %add3A_228, %ge3A_229 : vector<16xi32>
        %select_n3A_231 = arith.select %ge3A_230, %get3A_225, %broadcast_in_dim3A_1 : vector<16xi1>, vector<16xf32>
        %swap3A_232 = arith.constant 176 : index
        %swap3A_233 = tpu.vector_load %arg9[%swap3A_232] {strides = array<i32>} : memref<1408xf32, #tpu.memory_space<vmem>>, vector<16xf32>,
        tpu.vector_store %arg9[%swap3A_232], %select_n3A_231 {strides = array<i32>} : memref<1408xf32, #tpu.memory_space<vmem>>, vector<16xf32>,
        %get3A_234 = arith.constant 192 : index
        %get3A_235 = tpu.vector_load %arg9[%get3A_234] {strides = array<i32>} : memref<1408xf32, #tpu.memory_space<vmem>>, vector<16xf32>,
        %add3A_236 = arith.constant 192 : i32
        %add3A_237 = vector.broadcast %add3A_236 : i32 to vector<16xi32>
        %add3A_238 = arith.addi %add3A_237, %iota3A : vector<16xi32>
        %ge3A_239 = vector.broadcast %squeeze3A_63 : i32 to vector<16xi32>
        %ge3A_240 = arith.cmpi sge, %add3A_238, %ge3A_239 : vector<16xi32>
        %select_n3A_241 = arith.select %ge3A_240, %get3A_235, %broadcast_in_dim3A_1 : vector<16xi1>, vector<16xf32>
        %swap3A_242 = arith.constant 192 : index
        %swap3A_243 = tpu.vector_load %arg9[%swap3A_242] {strides = array<i32>} : memref<1408xf32, #tpu.memory_space<vmem>>, vector<16xf32>,
        tpu.vector_store %arg9[%swap3A_242], %select_n3A_241 {strides = array<i32>} : memref<1408xf32, #tpu.memory_space<vmem>>, vector<16xf32>,
        %get3A_244 = arith.constant 208 : index
        %get3A_245 = tpu.vector_load %arg9[%get3A_244] {strides = array<i32>} : memref<1408xf32, #tpu.memory_space<vmem>>, vector<16xf32>,
        %add3A_246 = arith.constant 208 : i32
        %add3A_247 = vector.broadcast %add3A_246 : i32 to vector<16xi32>
        %add3A_248 = arith.addi %add3A_247, %iota3A : vector<16xi32>
        %ge3A_249 = vector.broadcast %squeeze3A_63 : i32 to vector<16xi32>
        %ge3A_250 = arith.cmpi sge, %add3A_248, %ge3A_249 : vector<16xi32>
        %select_n3A_251 = arith.select %ge3A_250, %get3A_245, %broadcast_in_dim3A_1 : vector<16xi1>, vector<16xf32>
        %swap3A_252 = arith.constant 208 : index
        %swap3A_253 = tpu.vector_load %arg9[%swap3A_252] {strides = array<i32>} : memref<1408xf32, #tpu.memory_space<vmem>>, vector<16xf32>,
        tpu.vector_store %arg9[%swap3A_252], %select_n3A_251 {strides = array<i32>} : memref<1408xf32, #tpu.memory_space<vmem>>, vector<16xf32>,
        %get3A_254 = arith.constant 224 : index
        %get3A_255 = tpu.vector_load %arg9[%get3A_254] {strides = array<i32>} : memref<1408xf32, #tpu.memory_space<vmem>>, vector<16xf32>,
        %add3A_256 = arith.constant 224 : i32
        %add3A_257 = vector.broadcast %add3A_256 : i32 to vector<16xi32>
        %add3A_258 = arith.addi %add3A_257, %iota3A : vector<16xi32>
        %ge3A_259 = vector.broadcast %squeeze3A_63 : i32 to vector<16xi32>
        %ge3A_260 = arith.cmpi sge, %add3A_258, %ge3A_259 : vector<16xi32>
        %select_n3A_261 = arith.select %ge3A_260, %get3A_255, %broadcast_in_dim3A_1 : vector<16xi1>, vector<16xf32>
        %swap3A_262 = arith.constant 224 : index
        %swap3A_263 = tpu.vector_load %arg9[%swap3A_262] {strides = array<i32>} : memref<1408xf32, #tpu.memory_space<vmem>>, vector<16xf32>,
        tpu.vector_store %arg9[%swap3A_262], %select_n3A_261 {strides = array<i32>} : memref<1408xf32, #tpu.memory_space<vmem>>, vector<16xf32>,
        %get3A_264 = arith.constant 240 : index
        %get3A_265 = tpu.vector_load %arg9[%get3A_264] {strides = array<i32>} : memref<1408xf32, #tpu.memory_space<vmem>>, vector<16xf32>,
        %add3A_266 = arith.constant 240 : i32
        %add3A_267 = vector.broadcast %add3A_266 : i32 to vector<16xi32>
        %add3A_268 = arith.addi %add3A_267, %iota3A : vector<16xi32>
        %ge3A_269 = vector.broadcast %squeeze3A_63 : i32 to vector<16xi32>
        %ge3A_270 = arith.cmpi sge, %add3A_268, %ge3A_269 : vector<16xi32>
        %select_n3A_271 = arith.select %ge3A_270, %get3A_265, %broadcast_in_dim3A_1 : vector<16xi1>, vector<16xf32>
        %swap3A_272 = arith.constant 240 : index
        %swap3A_273 = tpu.vector_load %arg9[%swap3A_272] {strides = array<i32>} : memref<1408xf32, #tpu.memory_space<vmem>>, vector<16xf32>,
        tpu.vector_store %arg9[%swap3A_272], %select_n3A_271 {strides = array<i32>} : memref<1408xf32, #tpu.memory_space<vmem>>, vector<16xf32>,
        %get3A_274 = arith.constant 256 : index
        %get3A_275 = tpu.vector_load %arg9[%get3A_274] {strides = array<i32>} : memref<1408xf32, #tpu.memory_space<vmem>>, vector<16xf32>,
        %add3A_276 = arith.constant 256 : i32
        %add3A_277 = vector.broadcast %add3A_276 : i32 to vector<16xi32>
        %add3A_278 = arith.addi %add3A_277, %iota3A : vector<16xi32>
        %ge3A_279 = vector.broadcast %squeeze3A_63 : i32 to vector<16xi32>
        %ge3A_280 = arith.cmpi sge, %add3A_278, %ge3A_279 : vector<16xi32>
        %select_n3A_281 = arith.select %ge3A_280, %get3A_275, %broadcast_in_dim3A_1 : vector<16xi1>, vector<16xf32>
        %swap3A_282 = arith.constant 256 : index
        %swap3A_283 = tpu.vector_load %arg9[%swap3A_282] {strides = array<i32>} : memref<1408xf32, #tpu.memory_space<vmem>>, vector<16xf32>,
        tpu.vector_store %arg9[%swap3A_282], %select_n3A_281 {strides = array<i32>} : memref<1408xf32, #tpu.memory_space<vmem>>, vector<16xf32>,
        %get3A_284 = arith.constant 272 : index
        %get3A_285 = tpu.vector_load %arg9[%get3A_284] {strides = array<i32>} : memref<1408xf32, #tpu.memory_space<vmem>>, vector<16xf32>,
        %add3A_286 = arith.constant 272 : i32
        %add3A_287 = vector.broadcast %add3A_286 : i32 to vector<16xi32>
        %add3A_288 = arith.addi %add3A_287, %iota3A : vector<16xi32>
        %ge3A_289 = vector.broadcast %squeeze3A_63 : i32 to vector<16xi32>
        %ge3A_290 = arith.cmpi sge, %add3A_288, %ge3A_289 : vector<16xi32>
        %select_n3A_291 = arith.select %ge3A_290, %get3A_285, %broadcast_in_dim3A_1 : vector<16xi1>, vector<16xf32>
        %swap3A_292 = arith.constant 272 : index
        %swap3A_293 = tpu.vector_load %arg9[%swap3A_292] {strides = array<i32>} : memref<1408xf32, #tpu.memory_space<vmem>>, vector<16xf32>,
        tpu.vector_store %arg9[%swap3A_292], %select_n3A_291 {strides = array<i32>} : memref<1408xf32, #tpu.memory_space<vmem>>, vector<16xf32>,
        %get3A_294 = arith.constant 288 : index
        %get3A_295 = tpu.vector_load %arg9[%get3A_294] {strides = array<i32>} : memref<1408xf32, #tpu.memory_space<vmem>>, vector<16xf32>,
        %add3A_296 = arith.constant 288 : i32
        %add3A_297 = vector.broadcast %add3A_296 : i32 to vector<16xi32>
        %add3A_298 = arith.addi %add3A_297, %iota3A : vector<16xi32>
        %ge3A_299 = vector.broadcast %squeeze3A_63 : i32 to vector<16xi32>
        %ge3A_300 = arith.cmpi sge, %add3A_298, %ge3A_299 : vector<16xi32>
        %select_n3A_301 = arith.select %ge3A_300, %get3A_295, %broadcast_in_dim3A_1 : vector<16xi1>, vector<16xf32>
        %swap3A_302 = arith.constant 288 : index
        %swap3A_303 = tpu.vector_load %arg9[%swap3A_302] {strides = array<i32>} : memref<1408xf32, #tpu.memory_space<vmem>>, vector<16xf32>,
        tpu.vector_store %arg9[%swap3A_302], %select_n3A_301 {strides = array<i32>} : memref<1408xf32, #tpu.memory_space<vmem>>, vector<16xf32>,
        %get3A_304 = arith.constant 304 : index
        %get3A_305 = tpu.vector_load %arg9[%get3A_304] {strides = array<i32>} : memref<1408xf32, #tpu.memory_space<vmem>>, vector<16xf32>,
        %add3A_306 = arith.constant 304 : i32
        %add3A_307 = vector.broadcast %add3A_306 : i32 to vector<16xi32>
        %add3A_308 = arith.addi %add3A_307, %iota3A : vector<16xi32>
        %ge3A_309 = vector.broadcast %squeeze3A_63 : i32 to vector<16xi32>
        %ge3A_310 = arith.cmpi sge, %add3A_308, %ge3A_309 : vector<16xi32>
        %select_n3A_311 = arith.select %ge3A_310, %get3A_305, %broadcast_in_dim3A_1 : vector<16xi1>, vector<16xf32>
        %swap3A_312 = arith.constant 304 : index
        %swap3A_313 = tpu.vector_load %arg9[%swap3A_312] {strides = array<i32>} : memref<1408xf32, #tpu.memory_space<vmem>>, vector<16xf32>,
        tpu.vector_store %arg9[%swap3A_312], %select_n3A_311 {strides = array<i32>} : memref<1408xf32, #tpu.memory_space<vmem>>, vector<16xf32>,
        %get3A_314 = arith.constant 320 : index
        %get3A_315 = tpu.vector_load %arg9[%get3A_314] {strides = array<i32>} : memref<1408xf32, #tpu.memory_space<vmem>>, vector<16xf32>,
        %add3A_316 = arith.constant 320 : i32
        %add3A_317 = vector.broadcast %add3A_316 : i32 to vector<16xi32>
        %add3A_318 = arith.addi %add3A_317, %iota3A : vector<16xi32>
        %ge3A_319 = vector.broadcast %squeeze3A_63 : i32 to vector<16xi32>
        %ge3A_320 = arith.cmpi sge, %add3A_318, %ge3A_319 : vector<16xi32>
        %select_n3A_321 = arith.select %ge3A_320, %get3A_315, %broadcast_in_dim3A_1 : vector<16xi1>, vector<16xf32>
        %swap3A_322 = arith.constant 320 : index
        %swap3A_323 = tpu.vector_load %arg9[%swap3A_322] {strides = array<i32>} : memref<1408xf32, #tpu.memory_space<vmem>>, vector<16xf32>,
        tpu.vector_store %arg9[%swap3A_322], %select_n3A_321 {strides = array<i32>} : memref<1408xf32, #tpu.memory_space<vmem>>, vector<16xf32>,
        %get3A_324 = arith.constant 336 : index
        %get3A_325 = tpu.vector_load %arg9[%get3A_324] {strides = array<i32>} : memref<1408xf32, #tpu.memory_space<vmem>>, vector<16xf32>,
        %add3A_326 = arith.constant 336 : i32
        %add3A_327 = vector.broadcast %add3A_326 : i32 to vector<16xi32>
        %add3A_328 = arith.addi %add3A_327, %iota3A : vector<16xi32>
        %ge3A_329 = vector.broadcast %squeeze3A_63 : i32 to vector<16xi32>
        %ge3A_330 = arith.cmpi sge, %add3A_328, %ge3A_329 : vector<16xi32>
        %select_n3A_331 = arith.select %ge3A_330, %get3A_325, %broadcast_in_dim3A_1 : vector<16xi1>, vector<16xf32>
        %swap3A_332 = arith.constant 336 : index
        %swap3A_333 = tpu.vector_load %arg9[%swap3A_332] {strides = array<i32>} : memref<1408xf32, #tpu.memory_space<vmem>>, vector<16xf32>,
        tpu.vector_store %arg9[%swap3A_332], %select_n3A_331 {strides = array<i32>} : memref<1408xf32, #tpu.memory_space<vmem>>, vector<16xf32>,
        %get3A_334 = arith.constant 352 : index
        %get3A_335 = tpu.vector_load %arg9[%get3A_334] {strides = array<i32>} : memref<1408xf32, #tpu.memory_space<vmem>>, vector<16xf32>,
        %add3A_336 = arith.constant 352 : i32
        %add3A_337 = vector.broadcast %add3A_336 : i32 to vector<16xi32>
        %add3A_338 = arith.addi %add3A_337, %iota3A : vector<16xi32>
        %ge3A_339 = vector.broadcast %squeeze3A_63 : i32 to vector<16xi32>
        %ge3A_340 = arith.cmpi sge, %add3A_338, %ge3A_339 : vector<16xi32>
        %select_n3A_341 = arith.select %ge3A_340, %get3A_335, %broadcast_in_dim3A_1 : vector<16xi1>, vector<16xf32>
        %swap3A_342 = arith.constant 352 : index
        %swap3A_343 = tpu.vector_load %arg9[%swap3A_342] {strides = array<i32>} : memref<1408xf32, #tpu.memory_space<vmem>>, vector<16xf32>,
        tpu.vector_store %arg9[%swap3A_342], %select_n3A_341 {strides = array<i32>} : memref<1408xf32, #tpu.memory_space<vmem>>, vector<16xf32>,
        %get3A_344 = arith.constant 368 : index
        %get3A_345 = tpu.vector_load %arg9[%get3A_344] {strides = array<i32>} : memref<1408xf32, #tpu.memory_space<vmem>>, vector<16xf32>,
        %add3A_346 = arith.constant 368 : i32
        %add3A_347 = vector.broadcast %add3A_346 : i32 to vector<16xi32>
        %add3A_348 = arith.addi %add3A_347, %iota3A : vector<16xi32>
        %ge3A_349 = vector.broadcast %squeeze3A_63 : i32 to vector<16xi32>
        %ge3A_350 = arith.cmpi sge, %add3A_348, %ge3A_349 : vector<16xi32>
        %select_n3A_351 = arith.select %ge3A_350, %get3A_345, %broadcast_in_dim3A_1 : vector<16xi1>, vector<16xf32>
        %swap3A_352 = arith.constant 368 : index
        %swap3A_353 = tpu.vector_load %arg9[%swap3A_352] {strides = array<i32>} : memref<1408xf32, #tpu.memory_space<vmem>>, vector<16xf32>,
        tpu.vector_store %arg9[%swap3A_352], %select_n3A_351 {strides = array<i32>} : memref<1408xf32, #tpu.memory_space<vmem>>, vector<16xf32>,
        %get3A_354 = arith.constant 384 : index
        %get3A_355 = tpu.vector_load %arg9[%get3A_354] {strides = array<i32>} : memref<1408xf32, #tpu.memory_space<vmem>>, vector<16xf32>,
        %add3A_356 = arith.constant 384 : i32
        %add3A_357 = vector.broadcast %add3A_356 : i32 to vector<16xi32>
        %add3A_358 = arith.addi %add3A_357, %iota3A : vector<16xi32>
        %ge3A_359 = vector.broadcast %squeeze3A_63 : i32 to vector<16xi32>
        %ge3A_360 = arith.cmpi sge, %add3A_358, %ge3A_359 : vector<16xi32>
        %select_n3A_361 = arith.select %ge3A_360, %get3A_355, %broadcast_in_dim3A_1 : vector<16xi1>, vector<16xf32>
        %swap3A_362 = arith.constant 384 : index
        %swap3A_363 = tpu.vector_load %arg9[%swap3A_362] {strides = array<i32>} : memref<1408xf32, #tpu.memory_space<vmem>>, vector<16xf32>,
        tpu.vector_store %arg9[%swap3A_362], %select_n3A_361 {strides = array<i32>} : memref<1408xf32, #tpu.memory_space<vmem>>, vector<16xf32>,
        %get3A_364 = arith.constant 400 : index
        %get3A_365 = tpu.vector_load %arg9[%get3A_364] {strides = array<i32>} : memref<1408xf32, #tpu.memory_space<vmem>>, vector<16xf32>,
        %add3A_366 = arith.constant 400 : i32
        %add3A_367 = vector.broadcast %add3A_366 : i32 to vector<16xi32>
        %add3A_368 = arith.addi %add3A_367, %iota3A : vector<16xi32>
        %ge3A_369 = vector.broadcast %squeeze3A_63 : i32 to vector<16xi32>
        %ge3A_370 = arith.cmpi sge, %add3A_368, %ge3A_369 : vector<16xi32>
        %select_n3A_371 = arith.select %ge3A_370, %get3A_365, %broadcast_in_dim3A_1 : vector<16xi1>, vector<16xf32>
        %swap3A_372 = arith.constant 400 : index
        %swap3A_373 = tpu.vector_load %arg9[%swap3A_372] {strides = array<i32>} : memref<1408xf32, #tpu.memory_space<vmem>>, vector<16xf32>,
        tpu.vector_store %arg9[%swap3A_372], %select_n3A_371 {strides = array<i32>} : memref<1408xf32, #tpu.memory_space<vmem>>, vector<16xf32>,
        %get3A_374 = arith.constant 416 : index
        %get3A_375 = tpu.vector_load %arg9[%get3A_374] {strides = array<i32>} : memref<1408xf32, #tpu.memory_space<vmem>>, vector<16xf32>,
        %add3A_376 = arith.constant 416 : i32
        %add3A_377 = vector.broadcast %add3A_376 : i32 to vector<16xi32>
        %add3A_378 = arith.addi %add3A_377, %iota3A : vector<16xi32>
        %ge3A_379 = vector.broadcast %squeeze3A_63 : i32 to vector<16xi32>
        %ge3A_380 = arith.cmpi sge, %add3A_378, %ge3A_379 : vector<16xi32>
        %select_n3A_381 = arith.select %ge3A_380, %get3A_375, %broadcast_in_dim3A_1 : vector<16xi1>, vector<16xf32>
        %swap3A_382 = arith.constant 416 : index
        %swap3A_383 = tpu.vector_load %arg9[%swap3A_382] {strides = array<i32>} : memref<1408xf32, #tpu.memory_space<vmem>>, vector<16xf32>,
        tpu.vector_store %arg9[%swap3A_382], %select_n3A_381 {strides = array<i32>} : memref<1408xf32, #tpu.memory_space<vmem>>, vector<16xf32>,
        %get3A_384 = arith.constant 432 : index
        %get3A_385 = tpu.vector_load %arg9[%get3A_384] {strides = array<i32>} : memref<1408xf32, #tpu.memory_space<vmem>>, vector<16xf32>,
        %add3A_386 = arith.constant 432 : i32
        %add3A_387 = vector.broadcast %add3A_386 : i32 to vector<16xi32>
        %add3A_388 = arith.addi %add3A_387, %iota3A : vector<16xi32>
        %ge3A_389 = vector.broadcast %squeeze3A_63 : i32 to vector<16xi32>
        %ge3A_390 = arith.cmpi sge, %add3A_388, %ge3A_389 : vector<16xi32>
        %select_n3A_391 = arith.select %ge3A_390, %get3A_385, %broadcast_in_dim3A_1 : vector<16xi1>, vector<16xf32>
        %swap3A_392 = arith.constant 432 : index
        %swap3A_393 = tpu.vector_load %arg9[%swap3A_392] {strides = array<i32>} : memref<1408xf32, #tpu.memory_space<vmem>>, vector<16xf32>,
        tpu.vector_store %arg9[%swap3A_392], %select_n3A_391 {strides = array<i32>} : memref<1408xf32, #tpu.memory_space<vmem>>, vector<16xf32>,
        %get3A_394 = arith.constant 448 : index
        %get3A_395 = tpu.vector_load %arg9[%get3A_394] {strides = array<i32>} : memref<1408xf32, #tpu.memory_space<vmem>>, vector<16xf32>,
        %add3A_396 = arith.constant 448 : i32
        %add3A_397 = vector.broadcast %add3A_396 : i32 to vector<16xi32>
        %add3A_398 = arith.addi %add3A_397, %iota3A : vector<16xi32>
        %ge3A_399 = vector.broadcast %squeeze3A_63 : i32 to vector<16xi32>
        %ge3A_400 = arith.cmpi sge, %add3A_398, %ge3A_399 : vector<16xi32>
        %select_n3A_401 = arith.select %ge3A_400, %get3A_395, %broadcast_in_dim3A_1 : vector<16xi1>, vector<16xf32>
        %swap3A_402 = arith.constant 448 : index
        %swap3A_403 = tpu.vector_load %arg9[%swap3A_402] {strides = array<i32>} : memref<1408xf32, #tpu.memory_space<vmem>>, vector<16xf32>,
        tpu.vector_store %arg9[%swap3A_402], %select_n3A_401 {strides = array<i32>} : memref<1408xf32, #tpu.memory_space<vmem>>, vector<16xf32>,
        %get3A_404 = arith.constant 464 : index
        %get3A_405 = tpu.vector_load %arg9[%get3A_404] {strides = array<i32>} : memref<1408xf32, #tpu.memory_space<vmem>>, vector<16xf32>,
        %add3A_406 = arith.constant 464 : i32
        %add3A_407 = vector.broadcast %add3A_406 : i32 to vector<16xi32>
        %add3A_408 = arith.addi %add3A_407, %iota3A : vector<16xi32>
        %ge3A_409 = vector.broadcast %squeeze3A_63 : i32 to vector<16xi32>
        %ge3A_410 = arith.cmpi sge, %add3A_408, %ge3A_409 : vector<16xi32>
        %select_n3A_411 = arith.select %ge3A_410, %get3A_405, %broadcast_in_dim3A_1 : vector<16xi1>, vector<16xf32>
        %swap3A_412 = arith.constant 464 : index
        %swap3A_413 = tpu.vector_load %arg9[%swap3A_412] {strides = array<i32>} : memref<1408xf32, #tpu.memory_space<vmem>>, vector<16xf32>,
        tpu.vector_store %arg9[%swap3A_412], %select_n3A_411 {strides = array<i32>} : memref<1408xf32, #tpu.memory_space<vmem>>, vector<16xf32>,
        %get3A_414 = arith.constant 480 : index
        %get3A_415 = tpu.vector_load %arg9[%get3A_414] {strides = array<i32>} : memref<1408xf32, #tpu.memory_space<vmem>>, vector<16xf32>,
        %add3A_416 = arith.constant 480 : i32
        %add3A_417 = vector.broadcast %add3A_416 : i32 to vector<16xi32>
        %add3A_418 = arith.addi %add3A_417, %iota3A : vector<16xi32>
        %ge3A_419 = vector.broadcast %squeeze3A_63 : i32 to vector<16xi32>
        %ge3A_420 = arith.cmpi sge, %add3A_418, %ge3A_419 : vector<16xi32>
        %select_n3A_421 = arith.select %ge3A_420, %get3A_415, %broadcast_in_dim3A_1 : vector<16xi1>, vector<16xf32>
        %swap3A_422 = arith.constant 480 : index
        %swap3A_423 = tpu.vector_load %arg9[%swap3A_422] {strides = array<i32>} : memref<1408xf32, #tpu.memory_space<vmem>>, vector<16xf32>,
        tpu.vector_store %arg9[%swap3A_422], %select_n3A_421 {strides = array<i32>} : memref<1408xf32, #tpu.memory_space<vmem>>, vector<16xf32>,
        %get3A_424 = arith.constant 496 : index
        %get3A_425 = tpu.vector_load %arg9[%get3A_424] {strides = array<i32>} : memref<1408xf32, #tpu.memory_space<vmem>>, vector<16xf32>,
        %add3A_426 = arith.constant 496 : i32
        %add3A_427 = vector.broadcast %add3A_426 : i32 to vector<16xi32>
        %add3A_428 = arith.addi %add3A_427, %iota3A : vector<16xi32>
        %ge3A_429 = vector.broadcast %squeeze3A_63 : i32 to vector<16xi32>
        %ge3A_430 = arith.cmpi sge, %add3A_428, %ge3A_429 : vector<16xi32>
        %select_n3A_431 = arith.select %ge3A_430, %get3A_425, %broadcast_in_dim3A_1 : vector<16xi1>, vector<16xf32>
        %swap3A_432 = arith.constant 496 : index
        %swap3A_433 = tpu.vector_load %arg9[%swap3A_432] {strides = array<i32>} : memref<1408xf32, #tpu.memory_space<vmem>>, vector<16xf32>,
        tpu.vector_store %arg9[%swap3A_432], %select_n3A_431 {strides = array<i32>} : memref<1408xf32, #tpu.memory_space<vmem>>, vector<16xf32>,
        %get3A_434 = arith.constant 512 : index
        %get3A_435 = tpu.vector_load %arg9[%get3A_434] {strides = array<i32>} : memref<1408xf32, #tpu.memory_space<vmem>>, vector<16xf32>,
        %ge3A_436 = vector.broadcast %select_n3A_90 : i32 to vector<16xi32>
        %ge3A_437 = arith.cmpi sge, %iota3A, %ge3A_436 : vector<16xi32>
        %select_n3A_438 = arith.select %ge3A_437, %get3A_435, %broadcast_in_dim3A_1 : vector<16xi1>, vector<16xf32>
        %swap3A_439 = arith.constant 512 : index
        %swap3A_440 = tpu.vector_load %arg9[%swap3A_439] {strides = array<i32>} : memref<1408xf32, #tpu.memory_space<vmem>>, vector<16xf32>,
        tpu.vector_store %arg9[%swap3A_439], %select_n3A_438 {strides = array<i32>} : memref<1408xf32, #tpu.memory_space<vmem>>, vector<16xf32>,
        %get3A_441 = arith.constant 528 : index
        %get3A_442 = tpu.vector_load %arg9[%get3A_441] {strides = array<i32>} : memref<1408xf32, #tpu.memory_space<vmem>>, vector<16xf32>,
        %add3A_443 = arith.constant 0 : i32
        %add3A_444 = vector.broadcast %add3A_443 : i32 to vector<16xi32>
        %add3A_445 = arith.addi %add3A_444, %iota3A : vector<16xi32>
        %ge3A_446 = vector.broadcast %select_n3A_115 : i32 to vector<16xi32>
        %ge3A_447 = arith.cmpi sge, %add3A_445, %ge3A_446 : vector<16xi32>
        %select_n3A_448 = arith.select %ge3A_447, %get3A_442, %broadcast_in_dim3A_1 : vector<16xi1>, vector<16xf32>
        %swap3A_449 = arith.constant 528 : index
        %swap3A_450 = tpu.vector_load %arg9[%swap3A_449] {strides = array<i32>} : memref<1408xf32, #tpu.memory_space<vmem>>, vector<16xf32>,
        tpu.vector_store %arg9[%swap3A_449], %select_n3A_448 {strides = array<i32>} : memref<1408xf32, #tpu.memory_space<vmem>>, vector<16xf32>,
        %get3A_451 = arith.constant 544 : index
        %get3A_452 = tpu.vector_load %arg9[%get3A_451] {strides = array<i32>} : memref<1408xf32, #tpu.memory_space<vmem>>, vector<16xf32>,
        %add3A_453 = arith.constant 16 : i32
        %add3A_454 = vector.broadcast %add3A_453 : i32 to vector<16xi32>
        %add3A_455 = arith.addi %add3A_454, %iota3A : vector<16xi32>
        %ge3A_456 = vector.broadcast %select_n3A_115 : i32 to vector<16xi32>
        %ge3A_457 = arith.cmpi sge, %add3A_455, %ge3A_456 : vector<16xi32>
        %select_n3A_458 = arith.select %ge3A_457, %get3A_452, %broadcast_in_dim3A_1 : vector<16xi1>, vector<16xf32>
        %swap3A_459 = arith.constant 544 : index
        %swap3A_460 = tpu.vector_load %arg9[%swap3A_459] {strides = array<i32>} : memref<1408xf32, #tpu.memory_space<vmem>>, vector<16xf32>,
        tpu.vector_store %arg9[%swap3A_459], %select_n3A_458 {strides = array<i32>} : memref<1408xf32, #tpu.memory_space<vmem>>, vector<16xf32>,
        %get3A_461 = arith.constant 560 : index
        %get3A_462 = tpu.vector_load %arg9[%get3A_461] {strides = array<i32>} : memref<1408xf32, #tpu.memory_space<vmem>>, vector<16xf32>,
        %add3A_463 = arith.constant 32 : i32
        %add3A_464 = vector.broadcast %add3A_463 : i32 to vector<16xi32>
        %add3A_465 = arith.addi %add3A_464, %iota3A : vector<16xi32>
        %ge3A_466 = vector.broadcast %select_n3A_115 : i32 to vector<16xi32>
        %ge3A_467 = arith.cmpi sge, %add3A_465, %ge3A_466 : vector<16xi32>
        %select_n3A_468 = arith.select %ge3A_467, %get3A_462, %broadcast_in_dim3A_1 : vector<16xi1>, vector<16xf32>
        %swap3A_469 = arith.constant 560 : index
        %swap3A_470 = tpu.vector_load %arg9[%swap3A_469] {strides = array<i32>} : memref<1408xf32, #tpu.memory_space<vmem>>, vector<16xf32>,
        tpu.vector_store %arg9[%swap3A_469], %select_n3A_468 {strides = array<i32>} : memref<1408xf32, #tpu.memory_space<vmem>>, vector<16xf32>,
        %get3A_471 = arith.constant 576 : index
        %get3A_472 = tpu.vector_load %arg9[%get3A_471] {strides = array<i32>} : memref<1408xf32, #tpu.memory_space<vmem>>, vector<16xf32>,
        %add3A_473 = arith.constant 48 : i32
        %add3A_474 = vector.broadcast %add3A_473 : i32 to vector<16xi32>
        %add3A_475 = arith.addi %add3A_474, %iota3A : vector<16xi32>
        %ge3A_476 = vector.broadcast %select_n3A_115 : i32 to vector<16xi32>
        %ge3A_477 = arith.cmpi sge, %add3A_475, %ge3A_476 : vector<16xi32>
        %select_n3A_478 = arith.select %ge3A_477, %get3A_472, %broadcast_in_dim3A_1 : vector<16xi1>, vector<16xf32>
        %swap3A_479 = arith.constant 576 : index
        %swap3A_480 = tpu.vector_load %arg9[%swap3A_479] {strides = array<i32>} : memref<1408xf32, #tpu.memory_space<vmem>>, vector<16xf32>,
        tpu.vector_store %arg9[%swap3A_479], %select_n3A_478 {strides = array<i32>} : memref<1408xf32, #tpu.memory_space<vmem>>, vector<16xf32>,
        %get3A_481 = arith.constant 592 : index
        %get3A_482 = tpu.vector_load %arg9[%get3A_481] {strides = array<i32>} : memref<1408xf32, #tpu.memory_space<vmem>>, vector<16xf32>,
        %add3A_483 = arith.constant 64 : i32
        %add3A_484 = vector.broadcast %add3A_483 : i32 to vector<16xi32>
        %add3A_485 = arith.addi %add3A_484, %iota3A : vector<16xi32>
        %ge3A_486 = vector.broadcast %select_n3A_115 : i32 to vector<16xi32>
        %ge3A_487 = arith.cmpi sge, %add3A_485, %ge3A_486 : vector<16xi32>
        %select_n3A_488 = arith.select %ge3A_487, %get3A_482, %broadcast_in_dim3A_1 : vector<16xi1>, vector<16xf32>
        %swap3A_489 = arith.constant 592 : index
        %swap3A_490 = tpu.vector_load %arg9[%swap3A_489] {strides = array<i32>} : memref<1408xf32, #tpu.memory_space<vmem>>, vector<16xf32>,
        tpu.vector_store %arg9[%swap3A_489], %select_n3A_488 {strides = array<i32>} : memref<1408xf32, #tpu.memory_space<vmem>>, vector<16xf32>,
        %get3A_491 = arith.constant 608 : index
        %get3A_492 = tpu.vector_load %arg9[%get3A_491] {strides = array<i32>} : memref<1408xf32, #tpu.memory_space<vmem>>, vector<16xf32>,
        %add3A_493 = arith.constant 80 : i32
        %add3A_494 = vector.broadcast %add3A_493 : i32 to vector<16xi32>
        %add3A_495 = arith.addi %add3A_494, %iota3A : vector<16xi32>
        %ge3A_496 = vector.broadcast %select_n3A_115 : i32 to vector<16xi32>
        %ge3A_497 = arith.cmpi sge, %add3A_495, %ge3A_496 : vector<16xi32>
        %select_n3A_498 = arith.select %ge3A_497, %get3A_492, %broadcast_in_dim3A_1 : vector<16xi1>, vector<16xf32>
        %swap3A_499 = arith.constant 608 : index
        %swap3A_500 = tpu.vector_load %arg9[%swap3A_499] {strides = array<i32>} : memref<1408xf32, #tpu.memory_space<vmem>>, vector<16xf32>,
        tpu.vector_store %arg9[%swap3A_499], %select_n3A_498 {strides = array<i32>} : memref<1408xf32, #tpu.memory_space<vmem>>, vector<16xf32>,
        %get3A_501 = arith.constant 624 : index
        %get3A_502 = tpu.vector_load %arg9[%get3A_501] {strides = array<i32>} : memref<1408xf32, #tpu.memory_space<vmem>>, vector<16xf32>,
        %add3A_503 = arith.constant 96 : i32
        %add3A_504 = vector.broadcast %add3A_503 : i32 to vector<16xi32>
        %add3A_505 = arith.addi %add3A_504, %iota3A : vector<16xi32>
        %ge3A_506 = vector.broadcast %select_n3A_115 : i32 to vector<16xi32>
        %ge3A_507 = arith.cmpi sge, %add3A_505, %ge3A_506 : vector<16xi32>
        %select_n3A_508 = arith.select %ge3A_507, %get3A_502, %broadcast_in_dim3A_1 : vector<16xi1>, vector<16xf32>
        %swap3A_509 = arith.constant 624 : index
        %swap3A_510 = tpu.vector_load %arg9[%swap3A_509] {strides = array<i32>} : memref<1408xf32, #tpu.memory_space<vmem>>, vector<16xf32>,
        tpu.vector_store %arg9[%swap3A_509], %select_n3A_508 {strides = array<i32>} : memref<1408xf32, #tpu.memory_space<vmem>>, vector<16xf32>,
        %get3A_511 = arith.constant 640 : index
        %get3A_512 = tpu.vector_load %arg9[%get3A_511] {strides = array<i32>} : memref<1408xf32, #tpu.memory_space<vmem>>, vector<16xf32>,
        %add3A_513 = arith.constant 112 : i32
        %add3A_514 = vector.broadcast %add3A_513 : i32 to vector<16xi32>
        %add3A_515 = arith.addi %add3A_514, %iota3A : vector<16xi32>
        %ge3A_516 = vector.broadcast %select_n3A_115 : i32 to vector<16xi32>
        %ge3A_517 = arith.cmpi sge, %add3A_515, %ge3A_516 : vector<16xi32>
        %select_n3A_518 = arith.select %ge3A_517, %get3A_512, %broadcast_in_dim3A_1 : vector<16xi1>, vector<16xf32>
        %swap3A_519 = arith.constant 640 : index
        %swap3A_520 = tpu.vector_load %arg9[%swap3A_519] {strides = array<i32>} : memref<1408xf32, #tpu.memory_space<vmem>>, vector<16xf32>,
        tpu.vector_store %arg9[%swap3A_519], %select_n3A_518 {strides = array<i32>} : memref<1408xf32, #tpu.memory_space<vmem>>, vector<16xf32>,
      } else {
      }
      "tpu.region"() ({
        %run_scoped3A = tpu.sem_alloc : memref<!tpu.dma_semaphore, #tpu.memory_space<semaphore_mem>>
        %dma_start3A = arith.constant 0 : i32
        %dma_start3A_32 = tpu.memref_slice %arg9[%dma_start3A] : memref<1408xf32, #tpu.memory_space<vmem>> -> memref<1391xf32, #tpu.memory_space<vmem>>
        %dma_start3A_33 = arith.constant 0 : i32
        %dma_start3A_34 = tpu.memref_slice %arg6[%add3A_12, %dma_start3A_33] : memref<256x1391xf32, #tpu.memory_space<hbm>> -> memref<1x1391xf32, #tpu.memory_space<hbm>>
        %dma_start3A_35 = tpu.memref_squeeze %dma_start3A_34 : memref<1x1391xf32, #tpu.memory_space<hbm>> -> memref<1391xf32, #tpu.memory_space<hbm>>
        %dma_start3A_36 = arith.constant 0 : i32
        %dma_start3A_37 = tpu.memref_slice %arg6[%add3A_12, %dma_start3A_36] : memref<256x1391xf32, #tpu.memory_space<hbm>> -> memref<1x1391xf32, #tpu.memory_space<hbm>>
        %dma_start3A_38 = tpu.memref_squeeze %dma_start3A_37 : memref<1x1391xf32, #tpu.memory_space<hbm>> -> memref<1391xf32, #tpu.memory_space<hbm>>
        %dma_start3A_39 = arith.constant 0 : i32
        %dma_start3A_40 = tpu.memref_slice %arg9[%dma_start3A_39] : memref<1408xf32, #tpu.memory_space<vmem>> -> memref<1391xf32, #tpu.memory_space<vmem>>
        tpu.enqueue_dma source(%dma_start3A_40 : memref<1391xf32, #tpu.memory_space<vmem>>) target(%dma_start3A_38 : memref<1391xf32, #tpu.memory_space<hbm>>) target_semaphore(%run_scoped3A : memref<!tpu.dma_semaphore, #tpu.memory_space<semaphore_mem>>)
        %dma_wait3A = arith.constant 0 : i32
        %dma_wait3A_41 = tpu.memref_slice %arg9[%dma_wait3A] : memref<1408xf32, #tpu.memory_space<vmem>> -> memref<1391xf32, #tpu.memory_space<vmem>>
        %dma_wait3A_42 = arith.constant 0 : i32
        %dma_wait3A_43 = tpu.memref_slice %arg6[%add3A_12, %dma_wait3A_42] : memref<256x1391xf32, #tpu.memory_space<hbm>> -> memref<1x1391xf32, #tpu.memory_space<hbm>>
        %dma_wait3A_44 = tpu.memref_squeeze %dma_wait3A_43 : memref<1x1391xf32, #tpu.memory_space<hbm>> -> memref<1391xf32, #tpu.memory_space<hbm>>
        %dma_wait3A_45 = arith.constant 0 : i32
        %dma_wait3A_46 = tpu.memref_slice %arg6[%add3A_12, %dma_wait3A_45] : memref<256x1391xf32, #tpu.memory_space<hbm>> -> memref<1x1391xf32, #tpu.memory_space<hbm>>
        %dma_wait3A_47 = tpu.memref_squeeze %dma_wait3A_46 : memref<1x1391xf32, #tpu.memory_space<hbm>> -> memref<1391xf32, #tpu.memory_space<hbm>>
        %dma_wait3A_48 = arith.constant 0 : i32
        %dma_wait3A_49 = tpu.memref_slice %arg9[%dma_wait3A_48] : memref<1408xf32, #tpu.memory_space<vmem>> -> memref<1391xf32, #tpu.memory_space<vmem>>
        tpu.wait_dma2 semaphore(%run_scoped3A : memref<!tpu.dma_semaphore, #tpu.memory_space<semaphore_mem>>) src(%dma_wait3A_49 : memref<1391xf32, #tpu.memory_space<vmem>>) dst(%dma_wait3A_47 : memref<1391xf32, #tpu.memory_space<hbm>>)
        tpu.yield
      }) : () -> ()
      %scan3A_31 = arith.constant 0 : i32
      scf.yield %scan3A_31 : i32
    }
    %scan3A_7 = arith.constant 8 : i32
    return
  }
}

</mosaic_0001>

<sc_bundles>
// kernel: kernel.3.cloned.1.call-start
scs
__scs_entry_jumppad:
0x0: {  	(pc) =	sbr.rel $0x88, $3  }
0x1: {  	(tag) =	ssettag $0x0;
	lr =	simm.s32 $0x1  }
0x2: {  	[smem:$0x3F9D] =	sst lr;
	_ =	strace $0xD0000000  }
0x3: {  	_ = 	snop  }
0x4: {  	_ = 	snop  }
0x5: {  	_ = 	snop  }
0x6: {  	_ = 	snop  }
0x7: {  	_ = 	snop  }
__scs_overlays_trampoline_lowered:
0x8: {  	[smem:$0x3FAC] =	sst s0  }
0x9: {  	[smem:$0x3FAD] =	sst s1  }
0xa: {  	[smem:$0x3FAE] =	sst s2  }
0xb: {  	[smem:$0x3FAF] =	sst s3  }
0xc: {  	[smem:$0x3FB0] =	sst s4  }
0xd: {  	[smem:$0x3FB1] =	sst s5  }
0xe: {  	[smem:$0x3FB2] =	sst s6  }
0xf: {  	[smem:$0x3FB3] =	sst s7  }
0x10: {  	[smem:$0x3FB4] =	sst s8  }
0x11: {  	[smem:$0x3FB5] =	sst s9;
	s0 =	simm.s32 @!p0 $0x0  }
0x12: {  	s1 =	sld [smem:$0x3F9B];
	s0 =	simm.s32 @p0 $0x1  }
0x13: {  	[smem:$0x3FB6] =	sst s0;
	s0 =	simm.s32 @!p1 $0x0  }
0x14: {  	s2 =	sld [smem:$0x3F9A];
	s0 =	simm.s32 @p1 $0x1  }
0x15: {  	[smem:$0x3FB7] =	sst s0;
	s0 =	simm.s32 @!p2 $0x0  }
0x16: {  	s3 =	sld [smem:$0x3FDB];
	s0 =	simm.s32 @p2 $0x1  }
0x17: {  	s4 =	simm.s32 $0x1BF5;
	[smem:$0x3FB9] =	sst s0  }
0x18: {  	s0 =	sld [smem:$0x3F9C];
	_ =	swait.ge [sflag:s4], $0x0  }
0x19: {  	s7 =	sld [smem:$0x3F9D]  }
0x1a: {  	s8 =	sadd.s32 $0xFFFFE003, lr  }
0x1b: {  	s9 =	sadd.s32 $0xFFFFFEF7, lr;
	s5 =	simm.s32 $0xFFFFFFFF;
	p2 =	slt.u32 s8, $0xFFFFF086  }
0x1c: {  	p1 =	slt.u32 s9, $0xF7A;
	s5 =	simm.s32 @!p2 $0x0  }
0x1d: {  	s5 =	simm.s32 @p1 $0x1;
	p0 =	seq.s32 s7, s2  }
0x1e: {  	s7 =	smul.u32 @!p0 $0xF7A, s2;
	p2 =	seq.s32 @!p0 s5, $0x0  }
0x1f: {  	s9 =	smul.u32 $0xF7A, s1;
	s8 =	simm.s32 @!p0 $0x1BF5;
	p2 =	por !p2, p0  }
0x20: {  	[sflag:s8] =	ssyncset.s32 @!p0 $0xFFFFF086;
	s6 =	sadd.s32 @!p0 s3, s7;
	s7 =	simm.s32 @!p0 $0x108  }
0x21: {  	s3 =	sadd.s32 s3, s9;
	s6 =	sadd.s32 @!p0 $0x88, s6;
	s7 =	simm.s32 @p2 $0x1082  }
0x22: {  	[simem:s7], [sflag:s8] =	dma.local @!p0 [hbm:s6], $0xF7A  }
0x23: {  	s9 =	sor.u32 $0xD0000000, s2;
	s6 =	simm.s32 $0x108;
	_ =	swait.ge @!p0 [sflag:s8], $0x0  }
0x24: {  	s3 =	sadd.s32 $0x88, s3;
	s6 =	simm.s32 @!p1 $0x1082;
	[sflag:s4] =	ssyncset.s32 $0xFFFFF086  }
0x25: {  	[simem:s6], [sflag:s4] =	dma.local [hbm:s3], $0xF7A  }
0x26: {  	[smem:$0x3F9D] =	sst s1;
	(tag) =	ssettag s2;
	_ =	strace s9  }
0x27: {  	s1 =	sld [smem:$0x3FAD]  }
0x28: {  	s2 =	sld [smem:$0x3FAE]  }
0x29: {  	s4 =	sld [smem:$0x3FB0]  }
0x2a: {  	p0 =	seq.s32 s5, $0x0;
	s5 =	sld [smem:$0x3FB1]  }
0x2b: {  	s6 =	sld [smem:$0x3FB2]  }
0x2c: {  	s7 =	sld [smem:$0x3FB3]  }
0x2d: {  	s3 =	simm.s32 $0x108;
	s8 =	sld [smem:$0x3FB4]  }
0x2e: {  	s3 =	simm.s32 @!p0 $0x1082;
	s9 =	sld [smem:$0x3FB5]  }
0x2f: {  	lr =	sadd.s32 s0, s3;
	s0 =	sld [smem:$0x3FAC]  }
0x30: {  	s3 =	sld [smem:$0x3FAF]  }
0x31: {  	[smem:$0x3FB8] =	sst s10  }
0x32: {  	s10 =	sld [smem:$0x3FB6];
	_ =	sdelay $0x3  }
0x33: {  	p0 =	seq.s32 s10, $0x1;
	s10 =	sld [smem:$0x3FB8];
	_ =	sdelay $0x3  }
0x34: {  	[smem:$0x3FB8] =	sst s10  }
0x35: {  	s10 =	sld [smem:$0x3FB7];
	_ =	sdelay $0x3  }
0x36: {  	p1 =	seq.s32 s10, $0x1;
	s10 =	sld [smem:$0x3FB8];
	_ =	sdelay $0x3  }
0x37: {  	[smem:$0x3FB8] =	sst s10  }
0x38: {  	s10 =	sld [smem:$0x3FB9]  }
0x39: {  	_ = 	snop;
	(pc) =	sbr.ind lr, $3  }
0x3a: {  	_ = 	snop  }
0x3b: {  	_ = 	snop  }
0x3c: {  	p2 =	seq.s32 s10, $0x1;
	s10 =	sld [smem:$0x3FB8]  }
0x3d: {  	_ =	shalt  }
0x3e: {  	_ =	shalt  }
0x3f: {  	_ =	shalt  }
0x40: {  	_ =	shalt  }
0x41: {  	_ =	shalt  }
0x42: {  	_ =	shalt  }
0x43: {  	_ =	shalt  }
0x44: {  	_ =	shalt  }
0x45: {  	_ =	shalt  }
0x46: {  	_ =	shalt  }
0x47: {  	_ =	shalt  }
0x48: {  	_ =	shalt  }
0x49: {  	_ =	shalt  }
0x4a: {  	_ =	shalt  }
0x4b: {  	_ =	shalt  }
0x4c: {  	_ =	shalt  }
0x4d: {  	_ =	shalt  }
0x4e: {  	_ =	shalt  }
0x4f: {  	_ =	shalt  }
0x50: {  	_ =	shalt  }
0x51: {  	_ =	shalt  }
0x52: {  	_ =	shalt  }
0x53: {  	_ =	shalt  }
0x54: {  	_ =	shalt  }
0x55: {  	_ =	shalt  }
0x56: {  	_ =	shalt  }
0x57: {  	_ =	shalt  }
0x58: {  	_ =	shalt  }
0x59: {  	_ =	shalt  }
0x5a: {  	_ =	shalt  }
0x5b: {  	_ =	shalt  }
0x5c: {  	_ =	shalt  }
0x5d: {  	_ =	shalt  }
0x5e: {  	_ =	shalt  }
0x5f: {  	_ =	shalt  }
0x60: {  	_ =	shalt  }
0x61: {  	_ =	shalt  }
0x62: {  	_ =	shalt  }
0x63: {  	_ =	shalt  }
0x64: {  	_ =	shalt  }
0x65: {  	_ =	shalt  }
0x66: {  	_ =	shalt  }
0x67: {  	_ =	shalt  }
0x68: {  	_ =	shalt  }
0x69: {  	_ =	shalt  }
0x6a: {  	_ =	shalt  }
0x6b: {  	_ =	shalt  }
0x6c: {  	_ =	shalt  }
0x6d: {  	_ =	shalt  }
0x6e: {  	_ =	shalt  }
0x6f: {  	_ =	shalt  }
0x70: {  	_ =	shalt  }
0x71: {  	_ =	shalt  }
0x72: {  	_ =	shalt  }
0x73: {  	_ =	shalt  }
0x74: {  	_ =	shalt  }
0x75: {  	_ =	shalt  }
0x76: {  	_ =	shalt  }
0x77: {  	_ =	shalt  }
0x78: {  	_ =	shalt  }
0x79: {  	_ =	shalt  }
0x7a: {  	_ =	shalt  }
0x7b: {  	_ =	shalt  }
0x7c: {  	_ =	shalt  }
0x7d: {  	_ =	shalt  }
0x7e: {  	_ =	shalt  }
0x7f: {  	_ =	shalt  }
0x80: {  	_ =	shalt  }
0x81: {  	_ =	shalt  }
0x82: {  	_ =	shalt  }
0x83: {  	_ =	shalt  }
0x84: {  	_ =	shalt  }
0x85: {  	_ =	shalt  }
0x86: {  	_ =	shalt  }
0x87: {  	_ =	shalt  }
.Lfunc_end0:
.L_simem_size_0:
called_computation_lowered:
.L_overlay_start_0:
0x88: {  	s2 =	sld [smem:$0x3FD9]  }
0x89: {  	s3 =	sld [smem:$0x3FFE];
	_ =	sdelay $0x1  }
0x8a: {  	s1 =	srdreg.scid  }
0x8b: {  	s0 =	sand.u32 $0x1, s1  }
0x8c: {  	s17 =	sshll.u32 s0, $0xA;
	s2 =	sadd.s32 s3, s2  }
0x8d: {  	s2 =	sadd.s32 s2, s17  }
0x8e: {  	[smem:$0x3FC4] =	sst s2  }
0x8f: {  	_ = 	snop  }
0x90: {  	s2 =	sld [smem:$0x3FC9]  }
0x91: {  	s18 =	sld [smem:$0x3FC8]  }
0x92: {  	s4 =	sld [smem:$0x3FD0];
	(tm) =	ssettm $0x1  }
0x93: {  	s5 =	sld [smem:$0x3FFB];
	_ =	sdelay $0x3  }
0x94: {  	_ =	strace s5  }
0x95: {  	s5 =	sld [smem:$0x3FFC];
	_ =	sdelay $0x3  }
0x96: {  	_ =	strace s5  }
0x97: {  	s5 =	sld [smem:$0x3FFD];
	_ =	sdelay $0x3  }
0x98: {  	_ =	strace s5  }
0x99: {  	_ =	strace $0x8FFFFFFF  }
0x9a: {  	s19 =	sld [smem:$0x3FDB];
	_ =	sdelay $0x1  }
0x9b: {  	s6 =	simm.s32 $_scs_section_size  }
0x9c: {  	s7 =	simm.s32 $_size__tile_overlayer_lowered;
	s8 =	simm.s32 $_tile_overlayer_lowered  }
0x9d: {  	s22 =	simm.s32 $0x1BFF;
	s21 =	sshll.u32 s8, $0x1;
	s5 =	sadd.s32 s6, s19  }
0x9e: {  	s9 =	simm.s32 $0x0;
	s20 =	sshll.u32 s7, $0x1;
	s7 =	sadd.s32 s21, s5  }
0x9f: {  	[timem:s9], [sflag:s22] =	dma.local [hbm:s7], s20  }
0xa0: {  	_ =	swait.ge [sflag:s22], s20  }
0xa1: {  	s6 =	ssub.s32 $0x0, s20;
	[sflag:s22] =	ssyncset.done $0x0  }
0xa2: {  	[sflag:s22] =	ssyncadd.s32 s6;
	_ =	sdelay $0x1  }
0xa3: {  	s23 =	simm.s32 $0x1B8B  }
0xa4: {  	_ =	swait.ge [sflag:s23], $0x1  }
0xa5: {  	[sflag:s23] =	ssyncset.done $0x0  }
0xa6: {  	s25 =	simm.s32 $0x1B8E;
	s24 =	sld [smem:$0x3FFE];
	[sflag:s23] =	ssyncadd.s32 $0xFFFFFFFF  }
0xa7: {  	s26 =	simm.s32 $execute0_lowered;
	[smem:$0x3FD2] =	sst s25  }
0xa8: {  	s7 =	sshll.u32 s26, $0x1;
	_ =	strace $0x80000046;
	[dreg:$0x1] =	wrdreg $0xFFFFFFFF  }
0xa9: {  	s28 =	simm.s32 $_size_execute0_lowered;
	s5 =	sadd.s32 s5, s7;
	[dreg:$0x0] =	wrdreg $0x0  }
0xaa: {  	s7 =	sshll.u32 s28, $0x1;
	[dreg:$0x2] =	wrdreg s5  }
0xab: {  	[dreg:$0x3] =	wrdreg s7  }
0xac: {  	[dreg:$0x4] =	wrdreg $0xC0  }
0xad: {  	_ =	task [dreg:s9], $0x5FFFF  }
0xae: {  	[dreg:$0x1] =	wrdreg $0xFFFFFFFF  }
0xaf: {  	[dreg:$0x0] =	wrdreg $0x60  }
0xb0: {  	[dreg:$0x2] =	wrdreg s2  }
0xb1: {  	[dreg:$0x3] =	wrdreg s18  }
0xb2: {  	[dreg:$0x4] =	wrdreg s24  }
0xb3: {  	[dreg:$0x5] =	wrdreg s4  }
0xb4: {  	[dreg:$0x6] =	wrdreg $0x9  }
0xb5: {  	_ =	task.clear_ibuf [dreg:s9], $0x7FFFF;
	_ =	strace $0x90000046  }
0xb6: {  	s29 =	simm.s32 $0x9;
	_ =	strace $0x80000048  }
0xb7: {  	_ =	swait.ge [sflag:s29], $0x1  }
0xb8: {  	[sflag:s29] =	ssyncadd.s32 $0xFFFFFFFF  }
0xb9: {  	_ =	strace $0x90000048  }
0xba: {  	_ =	sfence  }
0xbb: {  	s30 =	sld [smem:$0x0];
	_ =	sdelay $0x2  }
0xbc: {  	s31 =	sshll.u32 s1, $0xD;
	s1 =	sshrl.u32 s1, $0x2  }
0xbd: {  	s3 =	sand.u32 $0x4000, s31;
	s1 =	sadd.s32 s1, s30  }
0xbe: {  	s0 =	sor.u32 s3, s0;
	s1 =	sshll.u32 s1, $0x11  }
0xbf: {  	s0 =	sor.u32 s1, s0  }
0xc0: {  	s0 =	sadd.s32 $0x8F2B, s0  }
0xc1: {  	[sflag:s0] =	ssyncadd.remote.s32 $0x1  }
0xc2: {  	_ =	sfence.sel $0xFFFF  }
0xc3: {  	[dreg:$0x0] =	wrdreg $0xFFFFFFFF;
	(pc) =	sbr.abs _section_cstart, $3  }
0xc4: {  	[dreg:$0x1] =	wrdreg $0xFFFFFFFF  }
0xc5: {  	_ =	task.clear_ibuf [dreg:s9], $0x2FFFF;
	_ =	strace $0x9FFFFFFF  }
0xc6: {  	(tm) =	ssettm $0x7FFFFFFF  }
0xc7: {  	_ =	shalt  }
tec
execute0_lowered:
.L_overlay_start_1:
0x0: {  	(tag) =	ssettag $0x1  }
0x1: {  	v0 =	vimm.s32 $0x3030201  }
0x2: {  	v1 =	vunpack.c.0.s8.s32 v0;
	v0 =	vlaneseq.u32  }
0x3: {  	vm0 =	vcmask $0xF00;
	s0 =	rddreg [dreg:$0x0];
	v35 =	vimm.f32 $0.0e+00;
	v2 =	vor.u32 $0x80000000, v0  }
0x4: {  	s1 =	rddreg [dreg:$0x1];
	v3 =	vadd.s32 $0x1, v0;
	v4 =	vadd.s32 $0x11, v0;
	v5 =	vadd.s32 $0x21, v0  }
0x5: {  	s7 =	rddreg [dreg:$0x2];
	v6 =	vadd.s32 $0x31, v0;
	v7 =	vadd.s32 $0x41, v0;
	v8 =	vadd.s32 $0x51, v0  }
0x6: {  	s3 =	rddreg [dreg:$0x3];
	v9 =	vadd.s32 $0x61, v0;
	v10 =	vadd.s32 $0x71, v0;
	v11 =	vadd.s32 $0x81, v0  }
0x7: {  	s2 =	rddreg [dreg:$0x4];
	v12 =	vadd.s32 $0x91, v0;
	v13 =	vadd.s32 $0xA1, v0;
	v14 =	vadd.s32 $0xB1, v0  }
0x8: {  	s4 =	simm.s32 $0x0;
	s5 =	srdreg.scid;
	s11 =	simm.s32 $0x1;
	v15 =	vadd.s32 $0xC1, v0;
	v16 =	vadd.s32 $0xD1, v0;
	v17 =	vadd.s32 $0xE1, v0  }
0x9: {  	s12 =	simm.s32 $0x100;
	s13 =	simm.s32 $0x200;
	s14 =	simm.s32 $0x1D90;
	v18 =	vadd.s32 $0xF1, v0;
	v19 =	vadd.s32 $0x101, v0;
	v20 =	vadd.s32 $0x111, v0  }
.Ltmp0:
0xa: {  	s15 =	simm.s32 $0x780;
	s5 =	sand.u32 $0x1, s5;
	v21 =	vadd.s32 $0x121, v0;
	v22 =	vadd.s32 $0x131, v0;
	v23 =	vadd.s32 $0x141, v0;
	(pc) =	sbr.rel .LBB2_1-.Ltmp0, $4  }
0xb: {  	s16 =	simm.s32 $0x1DB0;
	s17 =	simm.s32 $0x0;
	s9 =	ssub.s32 $0x2, s5;
	v24 =	vadd.s32 $0x151, v0;
	v25 =	vadd.s32 $0x161, v0;
	v26 =	vadd.s32 $0x171, v0  }
0xc: {  	[smem:$0x7FF] =	sst s4;
	s6 =	sadd.s32 $0x210800, s7;
	v27 =	vadd.s32 $0x181, v0;
	v28 =	vadd.s32 $0x191, v0;
	v29 =	vadd.s32 $0x1A1, v0;
	s10 =	sshrl.u32 s9, $0x1  }
0xd: {  	s8 =	sadd.s32 $0x800, s7;
	s7 =	stileid.u32;
	v30 =	vadd.s32 $0x1B1, v0;
	v31 =	vadd.s32 $0x1C1, v0;
	v32 =	vadd.s32 $0x1D1, v0;
	s10 =	ssub.s32 s9, s10  }
0xe: {  	_ =	strace $0x80000047;
	v33 =	vadd.s32 $0x1E1, v0;
	v34 =	vadd.s32 $0x1F1, v0;
	v1 =	vnsel vm0, $0x3, v1;
	s9 =	sshll.u32 s7, $0x1;
	s10 =	smax.u32 s10, $0x1  }
.LBB2_13:
0xf: {  	s17 =	sadd.s32 $0x1, s17  }
0x10: {  	p0 =	sne.s32 s17, s10  }
.Ltmp1:
0x11: {  	_ = 	snop;
	(pc) =	sbr.rel @!p0 .LBB2_14-.Ltmp1, $1  }
0x12: {  	_ =	sdelay $0x3  }
.LBB2_1:
0x13: {  	[tilespmem:s4], [sflag:$0x1] =	stream.linear.gather [hbm4b:s0+s4], $0x100, $0x38;
	[tilespmem:$0x1E40] =	vst v63  }
0x14: {  	_ =	swait.ge [sflag:s11], $0x100  }
0x15: {  	[sflag:s11] =	ssyncset.done $0x0  }
.Ltmp2:
0x16: {  	[sflag:s11] =	ssyncadd.s32 $0xFFFFFF00;
	(pc) =	sbr.rel .LBB2_2-.Ltmp2, $4  }
0x17: {  	[tilespmem:s12], [sflag:$0x1] =	stream.linear.gather [hbm4b:s1+s4], $0x100, $0x38;
	[tilespmem:$0x1E40] =	vst v63  }
0x18: {  	_ =	swait.ge [sflag:s11], $0x100  }
0x19: {  	[sflag:s11] =	ssyncset.done $0x0  }
0x1a: {  	s18 =	simm.s32 $0x0;
	[sflag:s11] =	ssyncadd.s32 $0xFFFFFF00  }
.LBB2_12:
0x1b: {  	s18 =	sadd.s32 $0x1, s18  }
0x1c: {  	p0 =	sne.s32 s18, $0x8  }
.Ltmp3:
0x1d: {  	s19 =	sadd.s32 s8, s19;
	(pc) =	sbr.rel @!p0 .LBB2_13-.Ltmp3, $4  }
0x1e: {  	[hbm4b:s19+s4] =	stream.linear.scatter [tilespmem:s13], [sflag:$0x1], $0x56F, $0x38;
	[tilespmem:$0x1E40] =	vst v63  }
0x1f: {  	_ =	swait.ge [sflag:s11], $0x56F  }
0x20: {  	[sflag:s11] =	ssyncset.done $0x0  }
0x21: {  	[sflag:s11] =	ssyncadd.s32 $0xFFFFFA91  }
.LBB2_2:
0x22: {  	s19 =	sshll.u32 s18, $0x5  }
0x23: {  	s19 =	sor.u32 s19, s9  }
0x24: {  	s20 =	sor.u32 s5, s19  }
0x25: {  	v36 =	vmov s20;
	_ =	sdelay $0x4  }
0x26: {  	v37 =	vld.idx.msk [tilespmem:v36+s4+$0x0], $0xffff  }
0x27: {  	v36 =	vld.idx.msk [tilespmem:v36+s12+$0x0], $0xffff;
	_ =	sdelay $0x3  }
0x28: {  	(v2sf) =	vpush v37, $0x0  }
0x29: {  	(v2sf) =	vpush v36, $0x0;
	_ =	sdelay $0xd  }
0x2a: {  	s22 =	spop (v2sf)  }
0x2b: {  	s19 =	smul.u32 $0xAE, s20;
	s21 =	spop (v2sf)  }
0x2c: {  	p0 =	seq.s32 s21, $0x3  }
.Ltmp4:
0x2d: {  	s23 =	sadd.s32 s3, s19;
	(pc) =	sbr.rel @p0 .LBB2_9-.Ltmp4, $4  }
0x2e: {  	[tilespmem:s13], [sflag:$0x1] =	stream.linear.gather [hbm4b:s23+s4], $0x56F, $0x38;
	[tilespmem:$0x1E40] =	vst v63  }
0x2f: {  	_ =	swait.ge [sflag:s11], $0x56F  }
0x30: {  	[sflag:s11] =	ssyncset.done $0x0  }
0x31: {  	s20 =	smul.u32 $0x107F5, s20;
	[sflag:s11] =	ssyncadd.s32 $0xFFFFFA91  }
0x32: {  	p0 =	sne.s32 s21, $0x1  }
0x33: {  	s21 =	sadd.s32 @!p0 $0x201, s22  }
0x34: {  	s23 =	sand.u32 @!p0 $0x1FF, s21  }
0x35: {  	p1 =	slt.s32 @!p0 s21, $0x1;
	p2 =	sne.s32 @!p0 s23, $0x0  }
0x36: {  	s23 =	sshra.s32 @!p0 s21, $0x1F;
	p1 =	por @!p0 !p1, !p2  }
0x37: {  	s23 =	sshrl.u32 @!p0 s23, $0x17;
	p1 =	por @!p0 !p1, !p1  }
0x38: {  	v36 =	vimm.f32 @!p0 $1.000000000e+00;
	s21 =	sadd.s32 @!p0 s23, s21;
	s23 =	simm.s32 @!p0 $0x1;
	p1 =	por !p1, p0  }
0x39: {  	[tilespmem:$0x1DB0] =	vst @!p0 v36;
	s21 =	sshra.s32 @!p0 s21, $0x9;
	s23 =	simm.s32 @p1 $0x0  }
0x3a: {  	[tilespmem:$0x1DC0] =	vst @!p0 v36;
	s21 =	ssub.s32 @!p0 s21, s23  }
0x3b: {  	[tilespmem:$0x1DD0] =	vst @!p0 v36;
	p1 =	slt.s32 @!p0 s21, $0x1  }
0x3c: {  	[tilespmem:$0x1DE0] =	vst @!p0 v36;
	p1 =	por p0, p1  }
.Ltmp5:
0x3d: {  	[tilespmem:$0x1DF0] =	vst @!p0 v36;
	(pc) =	sbr.rel @p1 .LBB2_12-.Ltmp5, $4  }
0x3e: {  	[tilespmem:$0x1E00] =	vst @!p0 v36  }
0x3f: {  	[tilespmem:$0x1E10] =	vst @!p0 v36  }
0x40: {  	[tilespmem:$0x1E20] =	vst @!p0 v36  }
0x41: {  	[tilespmem:$0x1E30] =	vst @!p0 v36  }
0x42: {  	s22 =	sadd.s32 $0x1, s22  }
0x43: {  	p0 =	por $0x0, $0x0;
	s23 =	simm.s32 $0x0;
	v36 =	vmov s22;
	s22 =	simm.s32 $0x0  }
.LBB2_5:
0x44: {  	s24 =	sshll.u32 s23, $0x9  }
0x45: {  	p1 =	slt.s32 s24, $0x15FF  }
0x46: {  	s24 =	simm.s32 @!p1 $0x15FF  }
0x47: {  	s25 =	smul.u32 $0xB, s24;
	_ =	sdelay $0x1  }
0x48: {  	s25 =	sadd.s32 s20, s25  }
0x49: {  	s26 =	sand.u32 $0x7, s25  }
0x4a: {  	s28 =	sshra.s32 s25, $0x1F;
	p6 =	slt.s32 s25, $0x1;
	p2 =	sne.s32 s26, $0x0  }
0x4b: {  	s28 =	sshrl.u32 s28, $0x1D;
	p1 =	por !p6, !p2  }
0x4c: {  	s26 =	sadd.s32 s28, s25;
	s28 =	simm.s32 $0x1;
	p1 =	por !p1, !p1  }
0x4d: {  	s26 =	sshra.s32 s26, $0x3;
	s28 =	simm.s32 @!p1 $0x0  }
0x4e: {  	s26 =	ssub.s32 s26, s28  }
0x4f: {  	v40 =	vor.u32 s22, v0;
	s28 =	sshll.u32 s26, $0x3  }
0x50: {  	v39 =	vmul.u32 $0xB, v40;
	s25 =	ssub.s32 s25, s28  }
0x51: {  	s26 =	sand.u32 $0x1FFFFFFF, s26;
	v37 =	vmov s25  }
0x52: {  	s29 =	sadd.s32 s6, s26;
	v38 =	vadd.s32 $0x6, v37;
	v41 =	vadd.s32 v37, v39  }
0x53: {  	[tilespmem:s15], [sflag:$0x1] =	stream.linear.gather [hbm4b:s29+s22], $0x1608, $0x38;
	v39 =	vadd.s32 v38, v39;
	[tilespmem:$0x1E40] =	vst v63  }
0x54: {  	_ =	swait.ge [sflag:s11], $0x1608  }
0x55: {  	[sflag:s11] =	ssyncset.done $0x0  }
0x56: {  	[sflag:s11] =	ssyncadd.s32 $0xFFFFE9F8  }
0x57: {  	v41 =	vld.idx.msk [tilespmem:v41+s15+$0x0], $0xffff  }
0x58: {  	v42 =	vld.idx.msk [tilespmem:v39+s15+$0x0], $0xffff;
	_ =	sdelay $0x1  }
0x59: {  	v39 =	vmov s24  }
0x5a: {  	v40 =	vadd.s32 v39, v40  }
0x5b: {  	vm1 =	vle.s32 v40, v36;
	vm0 =	veq.s32 v41, $0x1  }
0x5c: {  	s30 =	simm.s32 $0x10;
	vm0 =	vmand vm1, vm0;
	vm11 =	vlt.u32 v42, $0x81  }
0x5d: {  	v43 =	vor.u32 s30, v0;
	vm2 =	vgt.s32 v42, $0x0;
	vm0 =	vmand vm0, vm11  }
0x5e: {  	v56 =	vmul.u32 $0xB, v43;
	v57 =	vnsel vm2, $0x0, v42;
	v44 =	vsel vm0, $0x3F800000, v35  }
0x5f: {  	v41 =	vmin.u32 v57, $0x8F;
	(xrf0) =	vmax.scan.msk.f32 $0xffff, v44  }
0x60: {  	v58 =	vadd.s32 v37, v56  }
0x61: {  	v40 =	vadd.s32 v38, v56;
	_ =	sdelay $0x2  }
0x62: {  	[tilespmem:v41+s16+$0x0] =	vst.idx.msk vm0, v35  }
0x63: {  	v41 =	vld.idx.msk [tilespmem:v58+s15+$0x0], $0xffff;
	v63, _, _ =	vpop (xrf0)  }
0x64: {  	v59 =	vld.idx.msk [tilespmem:v40+s15+$0x0], $0xffff;
	(v2sf) =	vpush v63, $0xF;
	_ =	sdelay $0x2  }
0x65: {  	s31 =	simm.s32 $0x20;
	v43 =	vadd.s32 v39, v43  }
0x66: {  	vm13 =	vle.s32 v43, v36;
	v40 =	vor.u32 s31, v0;
	vm12 =	veq.s32 v41, $0x1  }
0x67: {  	vm14 =	vlt.u32 v59, $0x81;
	vm15 =	vgt.s32 v59, $0x0;
	vm0 =	vmand vm13, vm12  }
0x68: {  	v60 =	vmul.u32 $0xB, v40;
	v42 =	vnsel vm15, $0x0, v59;
	vm0 =	vmand vm0, vm14  }
0x69: {  	v42 =	vmin.u32 v42, $0x8F;
	v61 =	vsel vm0, $0x3F800000, v35  }
0x6a: {  	v62 =	vadd.s32 v37, v60;
	(xrf0) =	vmax.scan.msk.f32 $0xffff, v61  }
0x6b: {  	v41 =	vadd.s32 v38, v60;
	_ =	sdelay $0x2  }
0x6c: {  	[tilespmem:v42+s16+$0x0] =	vst.idx.msk vm0, v35  }
0x6d: {  	v43 =	vld.idx.msk [tilespmem:v62+s15+$0x0], $0xffff  }
0x6e: {  	s26 =	simm.s32 $0x50;
	s25 =	simm.s32 $0x30;
	s24 =	simm.s32 $0x40;
	v42 =	vld.idx.msk [tilespmem:v41+s15+$0x0], $0xffff;
	v41, _, _ =	vpop (xrf0)  }
.LBB2_6:
0x6f: {  	p1 =	sne.s32 s26, $0x1F0;
	(v2sf) =	vpush v41, $0xF;
	s28 =	spop (v2sf)  }
0x70: {  	p2 =	sgt.f32 s28, $0.0e+00;
	_ =	sdelay $0x1  }
0x71: {  	v41 =	vadd.s32 v39, v40;
	p0 =	por p0, p2  }
0x72: {  	v40 =	vor.u32 s25, v0;
	s25 =	smov.u32 s24;
	s24 =	smov.u32 s26;
	vm1 =	vle.s32 v41, v36;
	vm0 =	veq.s32 v43, $0x1  }
0x73: {  	vm0 =	vmand vm1, vm0;
	vm1 =	vlt.u32 v42, $0x81;
	vm2 =	vgt.s32 v42, $0x0  }
0x74: {  	v41 =	vmul.u32 $0xB, v40;
	vm0 =	vmand vm0, vm1;
	v42 =	vnsel vm2, $0x0, v42  }
0x75: {  	v42 =	vmin.u32 v42, $0x8F;
	v43 =	vsel vm0, $0x3F800000, v35  }
0x76: {  	v44 =	vadd.s32 v37, v41;
	(xrf0) =	vmax.scan.msk.f32 $0xffff, v43  }
0x77: {  	v41 =	vadd.s32 v38, v41  }
.Ltmp6:
0x78: {  	(pc) =	sbr.rel @p1 .LBB2_6-.Ltmp6, $4  }
0x79: {  	_ = 	snop  }
0x7a: {  	[tilespmem:v42+s16+$0x0] =	vst.idx.msk vm0, v35  }
0x7b: {  	v43 =	vld.idx.msk [tilespmem:v44+s15+$0x0], $0xffff  }
0x7c: {  	s26 =	sadd.s32 $0x10, s26;
	v42 =	vld.idx.msk [tilespmem:v41+s15+$0x0], $0xffff;
	v41, _, _ =	vpop (xrf0)  }
0x7d: {  	_ =	sdelay $0x1  }
0x7e: {  	v40 =	vadd.s32 v39, v40  }
0x7f: {  	v44 =	vor.u32 s25, v0;
	vm1 =	vle.s32 v40, v36;
	vm0 =	veq.s32 v43, $0x1  }
0x80: {  	vm0 =	vmand vm1, vm0;
	vm7 =	vlt.u32 v42, $0x81;
	vm2 =	vgt.s32 v42, $0x0  }
0x81: {  	v49 =	vmul.u32 $0xB, v44;
	vm0 =	vmand vm0, vm7;
	v42 =	vnsel vm2, $0x0, v42  }
0x82: {  	v42 =	vmin.u32 v42, $0x8F  }
0x83: {  	v50 =	vadd.s32 v37, v49  }
0x84: {  	v40 =	vadd.s32 v38, v49;
	_ =	sdelay $0x2  }
0x85: {  	[tilespmem:v42+s16+$0x0] =	vst.idx.msk vm0, v35  }
0x86: {  	v42 =	vld.idx.msk [tilespmem:v50+s15+$0x0], $0xffff  }
0x87: {  	v40 =	vld.idx.msk [tilespmem:v40+s15+$0x0], $0xffff;
	_ =	sdelay $0x2  }
0x88: {  	v51 =	vadd.s32 v39, v44  }
0x89: {  	v52 =	vor.u32 s24, v0;
	vm9 =	vle.s32 v51, v36;
	vm8 =	veq.s32 v42, $0x1  }
0x8a: {  	vm10 =	vlt.u32 v40, $0x81;
	vm3 =	vgt.s32 v40, $0x0;
	vm1 =	vmand vm9, vm8  }
0x8b: {  	v53 =	vmul.u32 $0xB, v52;
	v40 =	vnsel vm3, $0x0, v40;
	vm1 =	vmand vm1, vm10  }
0x8c: {  	v40 =	vmin.u32 v40, $0x8F  }
0x8d: {  	v54 =	vadd.s32 v37, v53  }
0x8e: {  	v55 =	vadd.s32 v38, v53;
	_ =	sdelay $0x2  }
0x8f: {  	[tilespmem:v40+s16+$0x0] =	vst.idx.msk vm1, v35  }
0x90: {  	v37 =	vld.idx.msk [tilespmem:v54+s15+$0x0], $0xffff  }
0x91: {  	v38 =	vld.idx.msk [tilespmem:v55+s15+$0x0], $0xffff;
	_ =	sdelay $0x2  }
0x92: {  	v56 =	vadd.s32 v39, v52  }
0x93: {  	vm12 =	vle.s32 v56, v36;
	v57 =	vsel vm0, $0x3F800000, v35;
	vm11 =	veq.s32 v37, $0x1  }
0x94: {  	(xrf0) =	vmax.scan.msk.f32 $0xffff, v57;
	vm14 =	vlt.u32 v38, $0x81;
	vm13 =	vmand vm12, vm11  }
0x95: {  	v58 =	vsel vm1, $0x3F800000, v35;
	vm0 =	vmand vm13, vm14  }
0x96: {  	(xrf0) =	vmax.scan.msk.f32 $0xffff, v58;
	v59 =	vsel vm0, $0x3F800000, v35  }
0x97: {  	(xrf0) =	vmax.scan.msk.f32 $0xffff, v59;
	_ =	sdelay $0x1  }
0x98: {  	(v2sf) =	vpush v41, $0xF  }
0x99: {  	v60, _, _ =	vpop (xrf0)  }
0x9a: {  	(v2sf) =	vpush v60, $0xF  }
0x9b: {  	v61, _, _ =	vpop (xrf0)  }
0x9c: {  	(v2sf) =	vpush v61, $0xF;
	v62, _, _ =	vpop (xrf0)  }
0x9d: {  	(v2sf) =	vpush v62, $0xF;
	_ =	sdelay $0x8  }
0x9e: {  	s26 =	spop (v2sf)  }
0x9f: {  	p1 =	sgt.f32 s26, $0.0e+00;
	s28 =	spop (v2sf)  }
0xa0: {  	p2 =	sgt.f32 s28, $0.0e+00;
	vm15 =	vgt.s32 v38, $0x0  }
0xa1: {  	s23 =	sadd.s32 $0x1, s23;
	p0 =	por p0, p1;
	s29 =	spop (v2sf);
	v63 =	vnsel vm15, $0x0, v38  }
0xa2: {  	p0 =	por p0, p2;
	p2 =	sne.s32 s23, s21;
	p4 =	sgt.f32 s29, $0.0e+00;
	v37 =	vmin.u32 v63, $0x8F  }
.Ltmp7:
0xa3: {  	s30 =	spop (v2sf);
	(pc) =	sbr.rel @p2 .LBB2_5-.Ltmp7, $4  }
0xa4: {  	p5 =	sgt.f32 s30, $0.0e+00;
	s31 =	spop (v2sf)  }
0xa5: {  	p0 =	por p0, p4;
	p6 =	sgt.f32 s31, $0.0e+00  }
0xa6: {  	p0 =	por p0, p5  }
0xa7: {  	[tilespmem:v37+s16+$0x0] =	vst.idx.msk vm0, v35;
	p0 =	por p0, p6  }
0xa8: {  	v36 =	vld @p0 [tilespmem:$0x1DB0]  }
0xa9: {  	v37 =	vld @p0 [tilespmem:$0x590]  }
0xaa: {  	v38 =	vld @p0 [tilespmem:$0x1DC0]  }
0xab: {  	v39 =	vld @p0 [tilespmem:$0x5A0]  }
0xac: {  	v40 =	vld @p0 [tilespmem:$0x1DD0]  }
0xad: {  	v41 =	vld @p0 [tilespmem:$0x5B0]  }
0xae: {  	v42 =	vld @p0 [tilespmem:$0x1DE0]  }
0xaf: {  	v43 =	vld @p0 [tilespmem:$0x5C0]  }
0xb0: {  	v44 =	vld @p0 [tilespmem:$0x1DF0]  }
0xb1: {  	v45 =	vld @p0 [tilespmem:$0x5D0]  }
0xb2: {  	v46 =	vld @p0 [tilespmem:$0x1E00]  }
0xb3: {  	v47 =	vld @p0 [tilespmem:$0x5E0]  }
0xb4: {  	v48 =	vld @p0 [tilespmem:$0x1E10]  }
0xb5: {  	vm0 =	vgt.f32 @p0 v36, $0.0e+00;
	v36 =	vld @p0 [tilespmem:$0x5F0]  }
0xb6: {  	v37 =	vnsel @p0 vm0, $0xCE6E6B28, v37;
	vm0 =	vgt.f32 @p0 v38, $0.0e+00;
	v38 =	vld @p0 [tilespmem:$0x1E20]  }
0xb7: {  	[tilespmem:$0x590] =	vst @p0 v37;
	v37 =	vnsel @p0 vm0, $0xCE6E6B28, v39;
	vm0 =	vgt.f32 @p0 v40, $0.0e+00;
	v39 =	vld @p0 [tilespmem:$0x600]  }
0xb8: {  	v40 =	vld @p0 [tilespmem:$0x1E30];
	[tilespmem:$0x5A0] =	vst @p0 v37;
	v37 =	vnsel @p0 vm0, $0xCE6E6B28, v41;
	vm0 =	vgt.f32 @p0 v42, $0.0e+00  }
0xb9: {  	v41 =	vld @p0 [tilespmem:$0x610];
	[tilespmem:$0x5B0] =	vst @p0 v37;
	v37 =	vnsel @p0 vm0, $0xCE6E6B28, v43;
	vm0 =	vgt.f32 @p0 v44, $0.0e+00  }
0xba: {  	[tilespmem:$0x5C0] =	vst @p0 v37;
	v37 =	vnsel @p0 vm0, $0xCE6E6B28, v45;
	vm0 =	vgt.f32 @p0 v46, $0.0e+00  }
.Ltmp8:
0xbb: {  	[tilespmem:$0x5D0] =	vst @p0 v37;
	v37 =	vnsel @p0 vm0, $0xCE6E6B28, v47;
	vm0 =	vgt.f32 @p0 v48, $0.0e+00;
	(pc) =	sbr.rel .LBB2_12-.Ltmp8, $4  }
0xbc: {  	[tilespmem:$0x5E0] =	vst @p0 v37;
	v36 =	vnsel @p0 vm0, $0xCE6E6B28, v36;
	vm0 =	vgt.f32 @p0 v38, $0.0e+00  }
0xbd: {  	[tilespmem:$0x5F0] =	vst @p0 v36;
	v36 =	vnsel @p0 vm0, $0xCE6E6B28, v39;
	vm0 =	vgt.f32 @p0 v40, $0.0e+00  }
0xbe: {  	[tilespmem:$0x600] =	vst @p0 v36;
	v36 =	vnsel @p0 vm0, $0xCE6E6B28, v41  }
0xbf: {  	[tilespmem:$0x610] =	vst @p0 v36  }
.LBB2_9:
0xc0: {  	s21 =	smul.u32 $0xB, s22;
	_ =	sdelay $0x1  }
0xc1: {  	s20 =	sadd.s32 s20, s21  }
0xc2: {  	s21 =	sand.u32 $0x7, s20  }
0xc3: {  	s28 =	sshra.s32 s20, $0x1F;
	p0 =	slt.s32 s20, $0x1;
	p1 =	sne.s32 s21, $0x0  }
0xc4: {  	s29 =	sshrl.u32 s28, $0x1D;
	p0 =	por !p0, !p1  }
0xc5: {  	s22 =	simm.s32 $0x1;
	s21 =	sadd.s32 s29, s20;
	p0 =	por !p0, !p0  }
0xc6: {  	s21 =	sshra.s32 s21, $0x3;
	s22 =	simm.s32 @!p0 $0x0  }
0xc7: {  	s21 =	ssub.s32 s21, s22  }
0xc8: {  	s22 =	sand.u32 $0x1FFFFFFF, s21  }
0xc9: {  	s22 =	sadd.s32 s6, s22  }
0xca: {  	[tilespmem:s14], [sflag:$0x1] =	stream.linear.gather [hbm4b:s22+s4], $0x18, $0x38;
	[tilespmem:$0x1E40] =	vst v63  }
0xcb: {  	_ =	swait.ge [sflag:s11], $0x18  }
0xcc: {  	[sflag:s11] =	ssyncset.done $0x0  }
0xcd: {  	s21 =	sshll.u32 s21, $0x3;
	[sflag:s11] =	ssyncadd.s32 $0xFFFFFFE8  }
0xce: {  	s30 =	simm.s32 $0x210;
	s20 =	ssub.s32 s20, s21;
	v39 =	vld [tilespmem:$0x200]  }
0xcf: {  	v37 =	vadd.s32 s20, v1;
	v36 =	vld [tilespmem:s30+$0x0];
	_ =	sdelay $0x3  }
0xd0: {  	s31 =	simm.s32 $0x10  }
0xd1: {  	v41 =	vor.u32 s31, v0;
	s21 =	simm.s32 $0x220;
	s20 =	simm.s32 $0x20;
	v38 =	vld.idx.msk [tilespmem:v37+s14+$0x0], $0xffff;
	v37 =	vlaneseq.u32;
	vm0 =	vgt.f32 v36, v39;
	v40 =	vmovc v39  }
.LBB2_10:
0xd2: {  	p0 =	sne.s32 s20, $0x1F0;
	v40 =	vsel vm0, v36, v40;
	v36 =	vld [tilespmem:s21+$0x0];
	v37 =	vsel vm0, v41, v37;
	s22 =	smov.u32 s20;
	s20 =	sadd.s32 $0x10, s20  }
.Ltmp9:
0xd3: {  	(pc) =	sbr.rel @p0 .LBB2_10-.Ltmp9, $2  }
0xd4: {  	_ =	sdelay $0x2  }
0xd5: {  	s21 =	sadd.s32 $0x10, s21;
	v41 =	vor.u32 s22, v0;
	vm0 =	vgt.f32 v36, v40  }
0xd6: {  	v40 =	vsel vm0, v36, v40  }
0xd7: {  	(xrf0) =	vmax.scan.msk.f32 $0xffff, v40;
	_ =	sdelay $0x5  }
0xd8: {  	v56, _, _ =	vpop (xrf0)  }
0xd9: {  	v36 =	vld [tilespmem:$0x400];
	v42 =	vbroadcast v56, $0xF  }
0xda: {  	v37 =	vsel vm0, v41, v37  }
0xdb: {  	v37 =	vxor.u32 $0x80000000, v37;
	vm10 =	veq.f32 v40, v42  }
0xdc: {  	v37 =	vnsel vm10, $0xC0000000, v37  }
0xdd: {  	(xrf0) =	vmin.scan.msk.u32 $0xffff, v37  }
0xde: {  	(xrf0) =	vmax.scan.msk.f32 $0xffff, v36;
	_ =	sdelay $0x2  }
0xdf: {  	v57 =	vld [tilespmem:$0x210]  }
0xe0: {  	v58 =	vld [tilespmem:$0x220];
	v37 =	vbroadcast v38, $0x0  }
0xe1: {  	v43 =	vld [tilespmem:$0x230];
	v59, _, _ =	vpop (xrf0)  }
0xe2: {  	v45 =	vld [tilespmem:$0x240];
	vm11 =	vlt.s32 v37, v3;
	v44, _, _ =	vpop (xrf0)  }
0xe3: {  	v46 =	vld [tilespmem:$0x250];
	vm12 =	vlt.s32 v37, v4;
	v39 =	vnsel vm11, $0xCE6E6B28, v39;
	v44 =	vbroadcast v44, $0xF  }
0xe4: {  	v61 =	vld [tilespmem:$0x260];
	vm13 =	vlt.s32 v37, v5;
	v60 =	vnsel vm12, $0xCE6E6B28, v57;
	[tilespmem:$0x200] =	vst v39  }
0xe5: {  	v63 =	vld [tilespmem:$0x270];
	vm14 =	vlt.s32 v37, v6;
	v62 =	vnsel vm13, $0xCE6E6B28, v58;
	[tilespmem:$0x210] =	vst v60;
	vm1 =	veq.f32 v36, v44  }
0xe6: {  	v48 =	vld [tilespmem:$0x280];
	vm15 =	vlt.s32 v37, v7;
	v47 =	vnsel vm14, $0xCE6E6B28, v43;
	[tilespmem:$0x220] =	vst v62;
	v44 =	vnsel vm1, $0xC0000000, v2  }
0xe7: {  	v54 =	vld [tilespmem:$0x2B0];
	vm4 =	vlt.s32 v37, v8;
	v49 =	vnsel vm15, $0xCE6E6B28, v45;
	[tilespmem:$0x230] =	vst v47;
	(xrf0) =	vmin.scan.msk.u32 $0xffff, v44  }
0xe8: {  	v52 =	vld [tilespmem:$0x2A0];
	vm5 =	vlt.s32 v37, v9;
	v51 =	vnsel vm4, $0xCE6E6B28, v46;
	[tilespmem:$0x240] =	vst v49  }
0xe9: {  	v50 =	vld [tilespmem:$0x290];
	vm6 =	vlt.s32 v37, v10;
	v53 =	vnsel vm5, $0xCE6E6B28, v61;
	[tilespmem:$0x250] =	vst v51  }
0xea: {  	(v2sf) =	vpush v38, $0x0;
	v56 =	vld [tilespmem:$0x2C0];
	vm7 =	vlt.s32 v37, v11;
	v55 =	vnsel vm6, $0xCE6E6B28, v63;
	[tilespmem:$0x260] =	vst v53  }
0xeb: {  	vm10 =	vlt.s32 v37, v14;
	v57 =	vnsel vm7, $0xCE6E6B28, v48;
	v58 =	vld [tilespmem:$0x2D0];
	[tilespmem:$0x270] =	vst v55;
	(v2sf) =	vpush v59, $0xF  }
0xec: {  	vm9 =	vlt.s32 v37, v13;
	v63 =	vld [tilespmem:$0x2F0];
	v48 =	vnsel vm10, $0xCE6E6B28, v54;
	[tilespmem:$0x280] =	vst v57  }
0xed: {  	vm8 =	vlt.s32 v37, v12;
	v60 =	vld [tilespmem:$0x2E0];
	v62 =	vnsel vm9, $0xCE6E6B28, v52;
	[tilespmem:$0x2B0] =	vst v48;
	(v2sf) =	vpush v38, $0x1;
	v61, _, _ =	vpop (xrf0)  }
0xee: {  	vm11 =	vlt.s32 v37, v15;
	v49 =	vld [tilespmem:$0x300];
	[tilespmem:$0x2A0] =	vst v62;
	v59 =	vnsel vm8, $0xCE6E6B28, v50;
	(v2sf) =	vpush v61, $0xF  }
0xef: {  	vm12 =	vlt.s32 v37, v16;
	v51 =	vld [tilespmem:$0x310];
	v50 =	vnsel vm11, $0xCE6E6B28, v56;
	[tilespmem:$0x290] =	vst v59  }
0xf0: {  	vm14 =	vlt.s32 v37, v18;
	v53 =	vld [tilespmem:$0x320];
	[tilespmem:$0x2C0] =	vst v50;
	v52 =	vnsel vm12, $0xCE6E6B28, v58;
	(v2sf) =	vpush v38, $0x2  }
0xf1: {  	vm13 =	vlt.s32 v37, v17;
	v55 =	vld [tilespmem:$0x330];
	v56 =	vnsel vm14, $0xCE6E6B28, v63;
	[tilespmem:$0x2D0] =	vst v52  }
0xf2: {  	vm15 =	vlt.s32 v37, v19;
	v57 =	vld [tilespmem:$0x340];
	v54 =	vnsel vm13, $0xCE6E6B28, v60;
	[tilespmem:$0x2F0] =	vst v56  }
0xf3: {  	vm4 =	vlt.s32 v37, v20;
	v46 =	vld [tilespmem:$0x380];
	v58 =	vnsel vm15, $0xCE6E6B28, v49;
	[tilespmem:$0x2E0] =	vst v54  }
0xf4: {  	vm5 =	vlt.s32 v37, v21;
	v48 =	vld [tilespmem:$0x390];
	v60 =	vnsel vm4, $0xCE6E6B28, v51;
	[tilespmem:$0x300] =	vst v58  }
0xf5: {  	vm6 =	vlt.s32 v37, v22;
	v59 =	vld [tilespmem:$0x350];
	v62 =	vnsel vm5, $0xCE6E6B28, v53;
	[tilespmem:$0x310] =	vst v60  }
0xf6: {  	vm7 =	vlt.s32 v37, v23;
	v63 =	vld [tilespmem:$0x370];
	v45 =	vnsel vm6, $0xCE6E6B28, v55;
	[tilespmem:$0x320] =	vst v62  }
0xf7: {  	vm11 =	vlt.s32 v37, v27;
	v50 =	vld [tilespmem:$0x3A0];
	v47 =	vnsel vm7, $0xCE6E6B28, v57;
	[tilespmem:$0x330] =	vst v45  }
0xf8: {  	vm12 =	vlt.s32 v37, v28;
	v55 =	vnsel vm11, $0xCE6E6B28, v46;
	v56 =	vld [tilespmem:$0x3D0];
	[tilespmem:$0x340] =	vst v47  }
0xf9: {  	s20 =	spop (v2sf);
	vm8 =	vlt.s32 v37, v24;
	v57 =	vnsel vm12, $0xCE6E6B28, v48;
	v54 =	vld [tilespmem:$0x3C0];
	[tilespmem:$0x380] =	vst v55  }
0xfa: {  	vm10 =	vlt.s32 v37, v26;
	v58 =	vld [tilespmem:$0x3E0];
	[tilespmem:$0x390] =	vst v57;
	v49 =	vnsel vm8, $0xCE6E6B28, v59;
	s21 =	spop (v2sf)  }
0xfb: {  	vm13 =	vlt.s32 v37, v29;
	v60 =	vld [tilespmem:$0x3F0];
	v53 =	vnsel vm10, $0xCE6E6B28, v63;
	[tilespmem:$0x350] =	vst v49;
	s20 =	sxor.u32 s20, s21  }
0xfc: {  	vm4 =	vlt.s32 v37, v32;
	v59 =	vnsel vm13, $0xCE6E6B28, v50;
	[tilespmem:$0x370] =	vst v53;
	v61 =	vld [tilespmem:$0x360];
	s21 =	spop (v2sf);
	p0 =	seq.s32 s20, $0x80000000  }
0xfd: {  	v52 =	vld [tilespmem:$0x3B0];
	vm15 =	vlt.s32 v37, v31;
	[tilespmem:$0x3A0] =	vst v59;
	v44 =	vnsel vm4, $0xCE6E6B28, v56;
	s21 =	simm.s32 @!p0 $0x0;
	s31 =	spop (v2sf)  }
0xfe: {  	vm5 =	vlt.s32 v37, v33;
	v62 =	vnsel vm15, $0xCE6E6B28, v54;
	[tilespmem:$0x3D0] =	vst v44;
	s20 =	sxor.u32 s21, s31  }
0xff: {  	vm6 =	vlt.s32 v37, v34;
	v63 =	vld [tilespmem:$0x410];
	v46 =	vnsel vm5, $0xCE6E6B28, v58;
	[tilespmem:$0x3C0] =	vst v62;
	p1 =	seq.s32 s20, $0x80000000;
	s20 =	spop (v2sf)  }
0x100: {  	vm9 =	vlt.s32 v37, v25;
	v45 =	vld [tilespmem:$0x420];
	v49 =	vnsel vm6, $0xCE6E6B28, v60;
	[tilespmem:$0x3E0] =	vst v46;
	s20 =	simm.s32 @!p1 $0x0  }
0x101: {  	vm14 =	vlt.s32 v37, v30;
	v48 =	vld [tilespmem:$0x430];
	[tilespmem:$0x3F0] =	vst v49;
	v51 =	vnsel vm9, $0xCE6E6B28, v61;
	v47 =	vmov s21;
	s20 =	simm.s32 @!p0 $0x0  }
0x102: {  	v61 =	vnsel vm14, $0xCE6E6B28, v52;
	[tilespmem:$0x360] =	vst v51;
	v51 =	vld [tilespmem:$0x440];
	vm7 =	vlt.s32 v47, v3;
	v50 =	vmov s20  }
0x103: {  	v52 =	vld [tilespmem:$0x450];
	[tilespmem:$0x3B0] =	vst v61;
	v36 =	vnsel vm7, $0xCE6E6B28, v36;
	vm8 =	vlt.s32 v50, v3  }
0x104: {  	v54 =	vld [tilespmem:$0x460];
	[tilespmem:$0x400] =	vst v36;
	vm9 =	vlt.s32 v50, v4;
	v53 =	vnsel vm8, $0xCE6E6B28, v63  }
0x105: {  	v56 =	vld [tilespmem:$0x470];
	vm10 =	vlt.s32 v50, v5;
	v55 =	vnsel vm9, $0xCE6E6B28, v45;
	[tilespmem:$0x410] =	vst v53  }
0x106: {  	v58 =	vld [tilespmem:$0x480];
	vm11 =	vlt.s32 v50, v6;
	v57 =	vnsel vm10, $0xCE6E6B28, v48;
	[tilespmem:$0x420] =	vst v55  }
0x107: {  	vm12 =	vlt.s32 v50, v7;
	v59 =	vnsel vm11, $0xCE6E6B28, v51;
	[tilespmem:$0x430] =	vst v57  }
.Ltmp10:
0x108: {  	vm13 =	vlt.s32 v50, v8;
	v60 =	vnsel vm12, $0xCE6E6B28, v52;
	[tilespmem:$0x440] =	vst v59;
	(pc) =	sbr.rel .LBB2_12-.Ltmp10, $4  }
0x109: {  	vm14 =	vlt.s32 v50, v9;
	v61 =	vnsel vm13, $0xCE6E6B28, v54;
	[tilespmem:$0x450] =	vst v60  }
0x10a: {  	vm15 =	vlt.s32 v50, v10;
	v62 =	vnsel vm14, $0xCE6E6B28, v56;
	[tilespmem:$0x460] =	vst v61  }
0x10b: {  	v63 =	vnsel vm15, $0xCE6E6B28, v58;
	[tilespmem:$0x470] =	vst v62  }
0x10c: {  	[tilespmem:$0x480] =	vst v63  }
.LBB2_14:
0x10d: {  	_ =	sfence.sel $0x180000  }
0x10e: {  	[bflag:$0x0] =	sbarrier.arrive $0xFFFF  }
0x10f: {  	p0 =	sne.s32 s7, $0x0;
	_ =	strace $0x90000047  }
0x110: {  	s0 =	sadd.s32 @!p0 $0x100000, s2;
	[bflag:$0x2] =	sbarrier.arrive $0xFFFF  }
0x111: {  	[sflag:s0] =	ssyncadd.tile.s32 @!p0 $0x1;
	_ =	shalt  }
.Lfunc_end2:
_tile_overlayer_lowered:
.L_overlay_start_2:
0x112: {  	(tag) =	ssettag $0x2  }
0x113: {  	s0 =	rddreg [dreg:$0x0];
	s2 =	stileid.u32  }
0x114: {  	s1 =	rddreg [dreg:$0x1];
	p0 =	sne.s32 s2, $0x0  }
0x115: {  	s3 =	rddreg [dreg:$0x2];
	[bflag:$0x3] =	sbarrier.arrive $0xFFFF;
	s2 =	simm.s32 @!p0 $0x1C01  }
0x116: {  	[timem:s3], [sflag:s2] =	dma.local @!p0 [hbm:s0], s1  }
0x117: {  	s0 =	simm.s32 @!p0 $0x1  }
0x118: {  	_ =	swait.ge @!p0 [sflag:s0], s1  }
0x119: {  	s1 =	ssub.s32 @!p0 $0x0, s1;
	[sflag:s0] =	ssyncset.done @!p0 $0x0  }
0x11a: {  	[sflag:s0] =	ssyncadd.s32 @!p0 s1  }
0x11b: {  	[bflag:$0x3] =	sbarrier.arrive $0xFFFF  }
0x11c: {  	_ =	shalt  }

</sc_bundles>
